<compile_context>
chip_gen: v7x
topology: tpu7x:2x2x1
jax: 0.10.2.dev20260603
libtpu: 0.0.44.dev20260713+nightly
codegen_flags: <defaults>
</compile_context>

<pallas_src>
import functools

import jax
import jax.numpy as jnp
from jax import lax
from jax.experimental import pallas as pl
from jax.experimental.pallas import tpu as pltpu
from jax.experimental.pallas import tpu_sc as plsc

N_A = 259200
N_B = 65160
NNZ = 4
BC = 128
DST_SHAPE = (181, 360)

CH = 64
N_PAD = 65536
NCHUNKS = N_PAD // CH


def _regrid_sc(xT, col_r, w_r):
    info = plsc.get_sparse_core_info()
    nc, ns = info.num_cores, info.num_subcores
    nw = nc * ns
    per_w = NCHUNKS // nw
    wstride = NNZ * CH
    mesh = plsc.VectorSubcoreMesh(core_axis_name="c", subcore_axis_name="s")

    @functools.partial(
        pl.kernel,
        mesh=mesh,
        compiler_params=pltpu.CompilerParams(needs_layout_passes=False),
        out_type=jax.ShapeDtypeStruct((N_PAD, BC), jnp.float32),
        scratch_types=[
            pltpu.VMEM((per_w, NNZ, CH), jnp.int32),
            pltpu.VMEM((per_w * NNZ * CH,), jnp.float32),
            pltpu.VMEM((2, NNZ, CH, BC), jnp.float32),
            pltpu.VMEM((2, CH, BC), jnp.float32),
            pltpu.SemaphoreType.DMA,
            pltpu.SemaphoreType.DMA,
            pltpu.SemaphoreType.DMA,
            pltpu.SemaphoreType.DMA,
        ],
    )
    def k(xT_h, col_h, w_h, out_h, idx_v, w_v, rows_v, acc_v,
          g0, g1, s0, s1):
        gsem = (g0, g1)
        ssem = (s0, s1)
        wid = lax.axis_index("s") * nc + lax.axis_index("c")
        c0 = wid * per_w

        pltpu.sync_copy(col_h.at[pl.ds(c0, per_w)], idx_v)
        pltpu.sync_copy(w_h.at[pl.ds(c0 * wstride, per_w * wstride)], w_v)

        def fire(ci, b):
            for kk in range(NNZ):
                pltpu.async_copy(
                    xT_h.at[idx_v.at[ci, kk]], rows_v.at[b, kk], gsem[b])

        def gwait(b):
            for kk in range(NNZ):
                pltpu.make_async_copy(
                    xT_h.at[idx_v.at[0, kk]], rows_v.at[b, kk], gsem[b]).wait()

        fire(0, 0)
        fire(1, 1)

        def pair_body(i, carry):
            for half in range(2):
                c = 2 * i + half

                @pl.when(c >= 2)
                def _wait_store(_b=half):
                    pltpu.make_async_copy(
                        acc_v.at[_b], out_h.at[pl.ds(0, CH)], ssem[_b]).wait()

                gwait(half)
                wbase = c * wstride

                @plsc.parallel_loop(0, CH, 1, unroll=2)
                def dst_body(j, _b=half, _wbase=wbase):
                    wsp = [
                        plsc.load_gather(
                            w_v,
                            [jnp.full((16,), kk * CH, jnp.int32) + (_wbase + j)])
                        for kk in range(NNZ)
                    ]
                    for f in range(BC // 16):
                        sl = pl.ds(f * 16, 16)
                        r01 = (wsp[0] * rows_v[_b, 0, j, sl]
                               + wsp[1] * rows_v[_b, 1, j, sl])
                        r23 = (wsp[2] * rows_v[_b, 2, j, sl]
                               + wsp[3] * rows_v[_b, 3, j, sl])
                        acc_v[_b, j, sl] = r01 + r23

                @pl.when(c + 2 < per_w)
                def _fire_next(_c=c, _b=half):
                    fire(_c + 2, _b)

                pltpu.async_copy(
                    acc_v.at[half], out_h.at[pl.ds((c0 + c) * CH, CH)],
                    ssem[half])
            return carry

        lax.fori_loop(0, per_w // 2, pair_body, 0)

        for b in range(2):
            pltpu.make_async_copy(
                acc_v.at[b], out_h.at[pl.ds(0, CH)], ssem[b]).wait()

    return k(xT, col_r, w_r)


def kernel(x, row, col, weights):
    lead_shape = x.shape[:-2]
    xT = jnp.transpose(x.reshape(-1, *x.shape[-2:]), (1, 2, 0)).reshape(N_A, -1)

    pad = N_PAD - N_B
    colp = jnp.concatenate([col, jnp.zeros((pad * NNZ,), jnp.int32)])
    wp = jnp.concatenate([weights, jnp.zeros((pad * NNZ,), jnp.float32)])
    col_r = colp.reshape(NCHUNKS, CH, NNZ).transpose(0, 2, 1)
    w_r = wp.reshape(NCHUNKS, CH, NNZ).transpose(0, 2, 1).reshape(-1)

    yT = _regrid_sc(xT, col_r, w_r)
    y = yT[:N_B].T
    ny, nx = DST_SHAPE
    return y.reshape(*lead_shape, ny, nx)

# --- scband reference (transcript-rebuilt; emitter-appended) ---
"""Pipeline reference for scband-regrid-24936580120740 (READ-ONLY COPY).

The authoritative reference and input builder live on the scoring server;
editing this copy changes nothing except your own understanding.
"""

import jax, jax.numpy as jnp
import numpy as np

N_A = 259200  # source grid 360 x 720 (0.5 deg)
N_B = 65160   # dest grid 181 x 360 (1.0 deg)
NNZ_PER_DST = 4
DST_SHAPE = (181, 360)


def setup_inputs(seed: int = 0) -> dict:
    key = jax.random.key(seed)
    k1, k2, k3 = jax.random.split(key, 3)
    x = jax.random.normal(k1, (8, 16, 360, 720), dtype=jnp.float32)
    # ESMF COO sparse weights: each dst point receives NNZ_PER_DST source contributions
    row = jnp.repeat(jnp.arange(N_B, dtype=jnp.int32), NNZ_PER_DST)
    col = jax.random.randint(k2, (N_B * NNZ_PER_DST,), 0, N_A, dtype=jnp.int32)
    w = jax.random.uniform(k3, (N_B * NNZ_PER_DST,), dtype=jnp.float32) + 0.1
    # normalize per dst row like conservative/bilinear weights (rows sum to 1)
    row_sums = jax.ops.segment_sum(w, row, num_segments=N_B)
    w = w / row_sums[row]
    return {"x": x, "row": row, "col": col, "weights": w}


def reference(x, row, col, weights):
    # flip_axis is None -> no flip
    lead_shape = x.shape[:-2]
    x_flat = x.reshape(-1, N_A)                 # [BC, n_a]  (torch: x_flat.T is [n_a, BC])
    gathered = jnp.take(x_flat, col, axis=1)    # [BC, nnz] gather source values
    contrib = gathered * weights[None, :]       # [BC, nnz]
    # sparse.mm(W, x_flat.T) == scatter-add of contributions into dst rows
    y = jax.ops.segment_sum(contrib.T, row, num_segments=N_B)  # [n_b, BC]
    y_flat = y.T                                # [BC, n_b]
    ny, nx = DST_SHAPE
    return y_flat.reshape(*lead_shape, ny, nx)

if __name__ == "__main__":
    import jax
    _d = setup_inputs()
    print(jax.jit(kernel)(*tuple(_d.values())))

</pallas_src>

<mosaic_0001>
#map = affine_map<(d0, d1) -> (0, 0)>
#map1 = affine_map<(d0, d1) -> (0, 0, 0)>
#map2 = affine_map<(d0, d1) -> (0)>
module attributes {stable_mosaic.version = 14 : i64} {
  func.func @k(%arg0: i32, %arg1: i32, %arg2: memref<259200x128xf32, #tpu.memory_space<hbm>>, %arg3: memref<1024x4x64xi32, #tpu.memory_space<hbm>>, %arg4: memref<262144xf32, #tpu.memory_space<hbm>>, %arg5: memref<65536x128xf32, #tpu.memory_space<hbm>>, %arg6: memref<32x4x64xi32, #tpu.memory_space<vmem>>, %arg7: memref<8192xf32, #tpu.memory_space<vmem>>, %arg8: memref<2x4x64x128xf32, #tpu.memory_space<vmem>>, %arg9: memref<2x64x128xf32, #tpu.memory_space<vmem>>, %arg10: memref<!tpu.dma_semaphore, #tpu.memory_space<semaphore_mem>>, %arg11: memref<!tpu.dma_semaphore, #tpu.memory_space<semaphore_mem>>, %arg12: memref<!tpu.dma_semaphore, #tpu.memory_space<semaphore_mem>>, %arg13: memref<!tpu.dma_semaphore, #tpu.memory_space<semaphore_mem>>) attributes {dimension_semantics = [#tpu.dimension_semantics<core_parallel>, #tpu.dimension_semantics<subcore_parallel>], iteration_bounds = array<i64: 2, 16>, scalar_prefetch = 0 : i64, scratch_operands = 8 : i64, tpu.core_type = #tpu.core_type<sc_vector_subcore>, window_params = [{transform_indices = #map}, {transform_indices = #map1}, {transform_indices = #map2}, {transform_indices = #map}]} {
    %mul3A = arith.constant 2 : i32
    %mul3A_0 = arith.muli %arg1, %mul3A : i32
    %add3A = arith.addi %mul3A_0, %arg0 : i32
    %mul3A_1 = arith.constant 32 : i32
    %mul3A_2 = arith.muli %add3A, %mul3A_1 : i32
    "tpu.region"() ({
      %run_scoped3A = tpu.sem_alloc : memref<!tpu.dma_semaphore, #tpu.memory_space<semaphore_mem>>
      %dma_start3A_150 = arith.constant 0 : i32
      %dma_start3A_151 = arith.constant 0 : i32
      %dma_start3A_152 = tpu.memref_slice %arg3[%mul3A_2, %dma_start3A_150, %dma_start3A_151] : memref<1024x4x64xi32, #tpu.memory_space<hbm>> -> memref<32x4x64xi32, #tpu.memory_space<hbm>>
      %dma_start3A_153 = arith.constant 0 : i32
      %dma_start3A_154 = arith.constant 0 : i32
      %dma_start3A_155 = tpu.memref_slice %arg3[%mul3A_2, %dma_start3A_153, %dma_start3A_154] : memref<1024x4x64xi32, #tpu.memory_space<hbm>> -> memref<32x4x64xi32, #tpu.memory_space<hbm>>
      tpu.enqueue_dma source(%dma_start3A_155 : memref<32x4x64xi32, #tpu.memory_space<hbm>>) target(%arg6 : memref<32x4x64xi32, #tpu.memory_space<vmem>>) target_semaphore(%run_scoped3A : memref<!tpu.dma_semaphore, #tpu.memory_space<semaphore_mem>>)
      %dma_wait3A_156 = arith.constant 0 : i32
      %dma_wait3A_157 = arith.constant 0 : i32
      %dma_wait3A_158 = tpu.memref_slice %arg3[%mul3A_2, %dma_wait3A_156, %dma_wait3A_157] : memref<1024x4x64xi32, #tpu.memory_space<hbm>> -> memref<32x4x64xi32, #tpu.memory_space<hbm>>
      %dma_wait3A_159 = arith.constant 0 : i32
      %dma_wait3A_160 = arith.constant 0 : i32
      %dma_wait3A_161 = tpu.memref_slice %arg3[%mul3A_2, %dma_wait3A_159, %dma_wait3A_160] : memref<1024x4x64xi32, #tpu.memory_space<hbm>> -> memref<32x4x64xi32, #tpu.memory_space<hbm>>
      tpu.wait_dma2 semaphore(%run_scoped3A : memref<!tpu.dma_semaphore, #tpu.memory_space<semaphore_mem>>) src(%dma_wait3A_161 : memref<32x4x64xi32, #tpu.memory_space<hbm>>) dst(%arg6 : memref<32x4x64xi32, #tpu.memory_space<vmem>>)
      tpu.yield
    }) : () -> ()
    %mul3A_3 = arith.constant 256 : i32
    %mul3A_4 = arith.muli %mul3A_2, %mul3A_3 : i32
    "tpu.region"() ({
      %run_scoped3A = tpu.sem_alloc : memref<!tpu.dma_semaphore, #tpu.memory_space<semaphore_mem>>
      %dma_start3A_150 = tpu.memref_slice %arg4[%mul3A_4] : memref<262144xf32, #tpu.memory_space<hbm>> -> memref<8192xf32, #tpu.memory_space<hbm>>
      %dma_start3A_151 = tpu.memref_slice %arg4[%mul3A_4] : memref<262144xf32, #tpu.memory_space<hbm>> -> memref<8192xf32, #tpu.memory_space<hbm>>
      tpu.enqueue_dma source(%dma_start3A_151 : memref<8192xf32, #tpu.memory_space<hbm>>) target(%arg7 : memref<8192xf32, #tpu.memory_space<vmem>>) target_semaphore(%run_scoped3A : memref<!tpu.dma_semaphore, #tpu.memory_space<semaphore_mem>>)
      %dma_wait3A_152 = tpu.memref_slice %arg4[%mul3A_4] : memref<262144xf32, #tpu.memory_space<hbm>> -> memref<8192xf32, #tpu.memory_space<hbm>>
      %dma_wait3A_153 = tpu.memref_slice %arg4[%mul3A_4] : memref<262144xf32, #tpu.memory_space<hbm>> -> memref<8192xf32, #tpu.memory_space<hbm>>
      tpu.wait_dma2 semaphore(%run_scoped3A : memref<!tpu.dma_semaphore, #tpu.memory_space<semaphore_mem>>) src(%dma_wait3A_153 : memref<8192xf32, #tpu.memory_space<hbm>>) dst(%arg7 : memref<8192xf32, #tpu.memory_space<vmem>>)
      tpu.yield
    }) : () -> ()
    %dma_start3A = arith.constant 0 : i32
    %dma_start3A_5 = arith.constant 0 : i32
    %dma_start3A_6 = arith.constant 0 : i32
    %dma_start3A_7 = arith.constant 0 : i32
    %dma_start3A_8 = arith.constant 0 : i32
    %dma_start3A_9 = arith.constant 0 : i32
    %dma_start3A_10 = tpu.memref_slice %arg8[%dma_start3A_6, %dma_start3A_7, %dma_start3A_8, %dma_start3A_9] : memref<2x4x64x128xf32, #tpu.memory_space<vmem>> -> memref<1x1x64x128xf32, #tpu.memory_space<vmem>>
    %dma_start3A_11 = tpu.memref_squeeze %dma_start3A_10 : memref<1x1x64x128xf32, #tpu.memory_space<vmem>> -> memref<64x128xf32, #tpu.memory_space<vmem>>
    %dma_start3A_12 = arith.constant 0 : i32
    %dma_start3A_13 = tpu.memref_slice %arg6[%dma_start3A, %dma_start3A_5, %dma_start3A_12] : memref<32x4x64xi32, #tpu.memory_space<vmem>> -> memref<1x1x64xi32, #tpu.memory_space<vmem>>
    %dma_start3A_14 = tpu.memref_squeeze %dma_start3A_13 : memref<1x1x64xi32, #tpu.memory_space<vmem>> -> memref<64xi32, #tpu.memory_space<vmem>>
    %dma_start3A_15 = arith.constant 0 : i32
    %dma_start3A_16 = arith.constant 0 : i32
    %dma_start3A_17 = tpu.memref_slice %arg2[%dma_start3A_15, %dma_start3A_16] : memref<259200x128xf32, #tpu.memory_space<hbm>> -> memref<259200x128xf32, #tpu.memory_space<hbm>>
    tpu.enqueue_indirect_dma source(%dma_start3A_17 : memref<259200x128xf32, #tpu.memory_space<hbm>>) target(%dma_start3A_11 : memref<64x128xf32, #tpu.memory_space<vmem>>) offsets(%dma_start3A_14 : memref<64xi32, #tpu.memory_space<vmem>>) semaphore(%arg10 : memref<!tpu.dma_semaphore, #tpu.memory_space<semaphore_mem>>)
    %dma_start3A_18 = arith.constant 0 : i32
    %dma_start3A_19 = arith.constant 1 : i32
    %dma_start3A_20 = arith.constant 0 : i32
    %dma_start3A_21 = arith.constant 1 : i32
    %dma_start3A_22 = arith.constant 0 : i32
    %dma_start3A_23 = arith.constant 0 : i32
    %dma_start3A_24 = tpu.memref_slice %arg8[%dma_start3A_20, %dma_start3A_21, %dma_start3A_22, %dma_start3A_23] : memref<2x4x64x128xf32, #tpu.memory_space<vmem>> -> memref<1x1x64x128xf32, #tpu.memory_space<vmem>>
    %dma_start3A_25 = tpu.memref_squeeze %dma_start3A_24 : memref<1x1x64x128xf32, #tpu.memory_space<vmem>> -> memref<64x128xf32, #tpu.memory_space<vmem>>
    %dma_start3A_26 = arith.constant 0 : i32
    %dma_start3A_27 = tpu.memref_slice %arg6[%dma_start3A_18, %dma_start3A_19, %dma_start3A_26] : memref<32x4x64xi32, #tpu.memory_space<vmem>> -> memref<1x1x64xi32, #tpu.memory_space<vmem>>
    %dma_start3A_28 = tpu.memref_squeeze %dma_start3A_27 : memref<1x1x64xi32, #tpu.memory_space<vmem>> -> memref<64xi32, #tpu.memory_space<vmem>>
    %dma_start3A_29 = arith.constant 0 : i32
    %dma_start3A_30 = arith.constant 0 : i32
    %dma_start3A_31 = tpu.memref_slice %arg2[%dma_start3A_29, %dma_start3A_30] : memref<259200x128xf32, #tpu.memory_space<hbm>> -> memref<259200x128xf32, #tpu.memory_space<hbm>>
    tpu.enqueue_indirect_dma source(%dma_start3A_31 : memref<259200x128xf32, #tpu.memory_space<hbm>>) target(%dma_start3A_25 : memref<64x128xf32, #tpu.memory_space<vmem>>) offsets(%dma_start3A_28 : memref<64xi32, #tpu.memory_space<vmem>>) semaphore(%arg10 : memref<!tpu.dma_semaphore, #tpu.memory_space<semaphore_mem>>)
    %dma_start3A_32 = arith.constant 0 : i32
    %dma_start3A_33 = arith.constant 2 : i32
    %dma_start3A_34 = arith.constant 0 : i32
    %dma_start3A_35 = arith.constant 2 : i32
    %dma_start3A_36 = arith.constant 0 : i32
    %dma_start3A_37 = arith.constant 0 : i32
    %dma_start3A_38 = tpu.memref_slice %arg8[%dma_start3A_34, %dma_start3A_35, %dma_start3A_36, %dma_start3A_37] : memref<2x4x64x128xf32, #tpu.memory_space<vmem>> -> memref<1x1x64x128xf32, #tpu.memory_space<vmem>>
    %dma_start3A_39 = tpu.memref_squeeze %dma_start3A_38 : memref<1x1x64x128xf32, #tpu.memory_space<vmem>> -> memref<64x128xf32, #tpu.memory_space<vmem>>
    %dma_start3A_40 = arith.constant 0 : i32
    %dma_start3A_41 = tpu.memref_slice %arg6[%dma_start3A_32, %dma_start3A_33, %dma_start3A_40] : memref<32x4x64xi32, #tpu.memory_space<vmem>> -> memref<1x1x64xi32, #tpu.memory_space<vmem>>
    %dma_start3A_42 = tpu.memref_squeeze %dma_start3A_41 : memref<1x1x64xi32, #tpu.memory_space<vmem>> -> memref<64xi32, #tpu.memory_space<vmem>>
    %dma_start3A_43 = arith.constant 0 : i32
    %dma_start3A_44 = arith.constant 0 : i32
    %dma_start3A_45 = tpu.memref_slice %arg2[%dma_start3A_43, %dma_start3A_44] : memref<259200x128xf32, #tpu.memory_space<hbm>> -> memref<259200x128xf32, #tpu.memory_space<hbm>>
    tpu.enqueue_indirect_dma source(%dma_start3A_45 : memref<259200x128xf32, #tpu.memory_space<hbm>>) target(%dma_start3A_39 : memref<64x128xf32, #tpu.memory_space<vmem>>) offsets(%dma_start3A_42 : memref<64xi32, #tpu.memory_space<vmem>>) semaphore(%arg10 : memref<!tpu.dma_semaphore, #tpu.memory_space<semaphore_mem>>)
    %dma_start3A_46 = arith.constant 0 : i32
    %dma_start3A_47 = arith.constant 3 : i32
    %dma_start3A_48 = arith.constant 0 : i32
    %dma_start3A_49 = arith.constant 3 : i32
    %dma_start3A_50 = arith.constant 0 : i32
    %dma_start3A_51 = arith.constant 0 : i32
    %dma_start3A_52 = tpu.memref_slice %arg8[%dma_start3A_48, %dma_start3A_49, %dma_start3A_50, %dma_start3A_51] : memref<2x4x64x128xf32, #tpu.memory_space<vmem>> -> memref<1x1x64x128xf32, #tpu.memory_space<vmem>>
    %dma_start3A_53 = tpu.memref_squeeze %dma_start3A_52 : memref<1x1x64x128xf32, #tpu.memory_space<vmem>> -> memref<64x128xf32, #tpu.memory_space<vmem>>
    %dma_start3A_54 = arith.constant 0 : i32
    %dma_start3A_55 = tpu.memref_slice %arg6[%dma_start3A_46, %dma_start3A_47, %dma_start3A_54] : memref<32x4x64xi32, #tpu.memory_space<vmem>> -> memref<1x1x64xi32, #tpu.memory_space<vmem>>
    %dma_start3A_56 = tpu.memref_squeeze %dma_start3A_55 : memref<1x1x64xi32, #tpu.memory_space<vmem>> -> memref<64xi32, #tpu.memory_space<vmem>>
    %dma_start3A_57 = arith.constant 0 : i32
    %dma_start3A_58 = arith.constant 0 : i32
    %dma_start3A_59 = tpu.memref_slice %arg2[%dma_start3A_57, %dma_start3A_58] : memref<259200x128xf32, #tpu.memory_space<hbm>> -> memref<259200x128xf32, #tpu.memory_space<hbm>>
    tpu.enqueue_indirect_dma source(%dma_start3A_59 : memref<259200x128xf32, #tpu.memory_space<hbm>>) target(%dma_start3A_53 : memref<64x128xf32, #tpu.memory_space<vmem>>) offsets(%dma_start3A_56 : memref<64xi32, #tpu.memory_space<vmem>>) semaphore(%arg10 : memref<!tpu.dma_semaphore, #tpu.memory_space<semaphore_mem>>)
    %dma_start3A_60 = arith.constant 1 : i32
    %dma_start3A_61 = arith.constant 0 : i32
    %dma_start3A_62 = arith.constant 1 : i32
    %dma_start3A_63 = arith.constant 0 : i32
    %dma_start3A_64 = arith.constant 0 : i32
    %dma_start3A_65 = arith.constant 0 : i32
    %dma_start3A_66 = tpu.memref_slice %arg8[%dma_start3A_62, %dma_start3A_63, %dma_start3A_64, %dma_start3A_65] : memref<2x4x64x128xf32, #tpu.memory_space<vmem>> -> memref<1x1x64x128xf32, #tpu.memory_space<vmem>>
    %dma_start3A_67 = tpu.memref_squeeze %dma_start3A_66 : memref<1x1x64x128xf32, #tpu.memory_space<vmem>> -> memref<64x128xf32, #tpu.memory_space<vmem>>
    %dma_start3A_68 = arith.constant 0 : i32
    %dma_start3A_69 = tpu.memref_slice %arg6[%dma_start3A_60, %dma_start3A_61, %dma_start3A_68] : memref<32x4x64xi32, #tpu.memory_space<vmem>> -> memref<1x1x64xi32, #tpu.memory_space<vmem>>
    %dma_start3A_70 = tpu.memref_squeeze %dma_start3A_69 : memref<1x1x64xi32, #tpu.memory_space<vmem>> -> memref<64xi32, #tpu.memory_space<vmem>>
    %dma_start3A_71 = arith.constant 0 : i32
    %dma_start3A_72 = arith.constant 0 : i32
    %dma_start3A_73 = tpu.memref_slice %arg2[%dma_start3A_71, %dma_start3A_72] : memref<259200x128xf32, #tpu.memory_space<hbm>> -> memref<259200x128xf32, #tpu.memory_space<hbm>>
    tpu.enqueue_indirect_dma source(%dma_start3A_73 : memref<259200x128xf32, #tpu.memory_space<hbm>>) target(%dma_start3A_67 : memref<64x128xf32, #tpu.memory_space<vmem>>) offsets(%dma_start3A_70 : memref<64xi32, #tpu.memory_space<vmem>>) semaphore(%arg11 : memref<!tpu.dma_semaphore, #tpu.memory_space<semaphore_mem>>)
    %dma_start3A_74 = arith.constant 1 : i32
    %dma_start3A_75 = arith.constant 1 : i32
    %dma_start3A_76 = arith.constant 1 : i32
    %dma_start3A_77 = arith.constant 1 : i32
    %dma_start3A_78 = arith.constant 0 : i32
    %dma_start3A_79 = arith.constant 0 : i32
    %dma_start3A_80 = tpu.memref_slice %arg8[%dma_start3A_76, %dma_start3A_77, %dma_start3A_78, %dma_start3A_79] : memref<2x4x64x128xf32, #tpu.memory_space<vmem>> -> memref<1x1x64x128xf32, #tpu.memory_space<vmem>>
    %dma_start3A_81 = tpu.memref_squeeze %dma_start3A_80 : memref<1x1x64x128xf32, #tpu.memory_space<vmem>> -> memref<64x128xf32, #tpu.memory_space<vmem>>
    %dma_start3A_82 = arith.constant 0 : i32
    %dma_start3A_83 = tpu.memref_slice %arg6[%dma_start3A_74, %dma_start3A_75, %dma_start3A_82] : memref<32x4x64xi32, #tpu.memory_space<vmem>> -> memref<1x1x64xi32, #tpu.memory_space<vmem>>
    %dma_start3A_84 = tpu.memref_squeeze %dma_start3A_83 : memref<1x1x64xi32, #tpu.memory_space<vmem>> -> memref<64xi32, #tpu.memory_space<vmem>>
    %dma_start3A_85 = arith.constant 0 : i32
    %dma_start3A_86 = arith.constant 0 : i32
    %dma_start3A_87 = tpu.memref_slice %arg2[%dma_start3A_85, %dma_start3A_86] : memref<259200x128xf32, #tpu.memory_space<hbm>> -> memref<259200x128xf32, #tpu.memory_space<hbm>>
    tpu.enqueue_indirect_dma source(%dma_start3A_87 : memref<259200x128xf32, #tpu.memory_space<hbm>>) target(%dma_start3A_81 : memref<64x128xf32, #tpu.memory_space<vmem>>) offsets(%dma_start3A_84 : memref<64xi32, #tpu.memory_space<vmem>>) semaphore(%arg11 : memref<!tpu.dma_semaphore, #tpu.memory_space<semaphore_mem>>)
    %dma_start3A_88 = arith.constant 1 : i32
    %dma_start3A_89 = arith.constant 2 : i32
    %dma_start3A_90 = arith.constant 1 : i32
    %dma_start3A_91 = arith.constant 2 : i32
    %dma_start3A_92 = arith.constant 0 : i32
    %dma_start3A_93 = arith.constant 0 : i32
    %dma_start3A_94 = tpu.memref_slice %arg8[%dma_start3A_90, %dma_start3A_91, %dma_start3A_92, %dma_start3A_93] : memref<2x4x64x128xf32, #tpu.memory_space<vmem>> -> memref<1x1x64x128xf32, #tpu.memory_space<vmem>>
    %dma_start3A_95 = tpu.memref_squeeze %dma_start3A_94 : memref<1x1x64x128xf32, #tpu.memory_space<vmem>> -> memref<64x128xf32, #tpu.memory_space<vmem>>
    %dma_start3A_96 = arith.constant 0 : i32
    %dma_start3A_97 = tpu.memref_slice %arg6[%dma_start3A_88, %dma_start3A_89, %dma_start3A_96] : memref<32x4x64xi32, #tpu.memory_space<vmem>> -> memref<1x1x64xi32, #tpu.memory_space<vmem>>
    %dma_start3A_98 = tpu.memref_squeeze %dma_start3A_97 : memref<1x1x64xi32, #tpu.memory_space<vmem>> -> memref<64xi32, #tpu.memory_space<vmem>>
    %dma_start3A_99 = arith.constant 0 : i32
    %dma_start3A_100 = arith.constant 0 : i32
    %dma_start3A_101 = tpu.memref_slice %arg2[%dma_start3A_99, %dma_start3A_100] : memref<259200x128xf32, #tpu.memory_space<hbm>> -> memref<259200x128xf32, #tpu.memory_space<hbm>>
    tpu.enqueue_indirect_dma source(%dma_start3A_101 : memref<259200x128xf32, #tpu.memory_space<hbm>>) target(%dma_start3A_95 : memref<64x128xf32, #tpu.memory_space<vmem>>) offsets(%dma_start3A_98 : memref<64xi32, #tpu.memory_space<vmem>>) semaphore(%arg11 : memref<!tpu.dma_semaphore, #tpu.memory_space<semaphore_mem>>)
    %dma_start3A_102 = arith.constant 1 : i32
    %dma_start3A_103 = arith.constant 3 : i32
    %dma_start3A_104 = arith.constant 1 : i32
    %dma_start3A_105 = arith.constant 3 : i32
    %dma_start3A_106 = arith.constant 0 : i32
    %dma_start3A_107 = arith.constant 0 : i32
    %dma_start3A_108 = tpu.memref_slice %arg8[%dma_start3A_104, %dma_start3A_105, %dma_start3A_106, %dma_start3A_107] : memref<2x4x64x128xf32, #tpu.memory_space<vmem>> -> memref<1x1x64x128xf32, #tpu.memory_space<vmem>>
    %dma_start3A_109 = tpu.memref_squeeze %dma_start3A_108 : memref<1x1x64x128xf32, #tpu.memory_space<vmem>> -> memref<64x128xf32, #tpu.memory_space<vmem>>
    %dma_start3A_110 = arith.constant 0 : i32
    %dma_start3A_111 = tpu.memref_slice %arg6[%dma_start3A_102, %dma_start3A_103, %dma_start3A_110] : memref<32x4x64xi32, #tpu.memory_space<vmem>> -> memref<1x1x64xi32, #tpu.memory_space<vmem>>
    %dma_start3A_112 = tpu.memref_squeeze %dma_start3A_111 : memref<1x1x64xi32, #tpu.memory_space<vmem>> -> memref<64xi32, #tpu.memory_space<vmem>>
    %dma_start3A_113 = arith.constant 0 : i32
    %dma_start3A_114 = arith.constant 0 : i32
    %dma_start3A_115 = tpu.memref_slice %arg2[%dma_start3A_113, %dma_start3A_114] : memref<259200x128xf32, #tpu.memory_space<hbm>> -> memref<259200x128xf32, #tpu.memory_space<hbm>>
    tpu.enqueue_indirect_dma source(%dma_start3A_115 : memref<259200x128xf32, #tpu.memory_space<hbm>>) target(%dma_start3A_109 : memref<64x128xf32, #tpu.memory_space<vmem>>) offsets(%dma_start3A_112 : memref<64xi32, #tpu.memory_space<vmem>>) semaphore(%arg11 : memref<!tpu.dma_semaphore, #tpu.memory_space<semaphore_mem>>)
    %scan3A = arith.constant 0 : i32
    %scan3A_116 = arith.constant 0 : i32
    %scan3A_117 = arith.constant 16 : i32
    %scan3A_118 = arith.addi %scan3A_116, %scan3A_117 : i32
    %scan3A_119 = arith.constant 1 : i32
    scf.for %scan3A_150 = %scan3A_116 to %scan3A_118 step %scan3A_119  : i32 {
      %mul3A_151 = arith.constant 2 : i32
      %mul3A_152 = arith.muli %mul3A_151, %scan3A_150 : i32
      %add3A_153 = arith.constant 0 : i32
      %add3A_154 = arith.addi %mul3A_152, %add3A_153 : i32
      %ge3A = arith.constant 2 : i32
      %ge3A_155 = arith.cmpi sge, %add3A_154, %ge3A : i32
      %convert_element_type3A = arith.extui %ge3A_155 : i1 to i32
      %cond3A = arith.constant 0 : i32
      %cond3A_156 = arith.cmpi ne, %convert_element_type3A, %cond3A : i32
      scf.if %cond3A_156 {
        %dma_wait3A_332 = arith.constant 0 : i32
        %dma_wait3A_333 = arith.constant 0 : i32
        %dma_wait3A_334 = arith.constant 0 : i32
        %dma_wait3A_335 = tpu.memref_slice %arg9[%dma_wait3A_332, %dma_wait3A_333, %dma_wait3A_334] : memref<2x64x128xf32, #tpu.memory_space<vmem>> -> memref<1x64x128xf32, #tpu.memory_space<vmem>>
        %dma_wait3A_336 = tpu.memref_squeeze %dma_wait3A_335 : memref<1x64x128xf32, #tpu.memory_space<vmem>> -> memref<64x128xf32, #tpu.memory_space<vmem>>
        %dma_wait3A_337 = arith.constant 0 : i32
        %dma_wait3A_338 = arith.constant 0 : i32
        %dma_wait3A_339 = tpu.memref_slice %arg5[%dma_wait3A_337, %dma_wait3A_338] : memref<65536x128xf32, #tpu.memory_space<hbm>> -> memref<64x128xf32, #tpu.memory_space<hbm>>
        %dma_wait3A_340 = arith.constant 0 : i32
        %dma_wait3A_341 = arith.constant 0 : i32
        %dma_wait3A_342 = tpu.memref_slice %arg5[%dma_wait3A_340, %dma_wait3A_341] : memref<65536x128xf32, #tpu.memory_space<hbm>> -> memref<64x128xf32, #tpu.memory_space<hbm>>
        %dma_wait3A_343 = arith.constant 0 : i32
        %dma_wait3A_344 = arith.constant 0 : i32
        %dma_wait3A_345 = tpu.memref_slice %arg9[%dma_wait3A_332, %dma_wait3A_343, %dma_wait3A_344] : memref<2x64x128xf32, #tpu.memory_space<vmem>> -> memref<1x64x128xf32, #tpu.memory_space<vmem>>
        %dma_wait3A_346 = tpu.memref_squeeze %dma_wait3A_345 : memref<1x64x128xf32, #tpu.memory_space<vmem>> -> memref<64x128xf32, #tpu.memory_space<vmem>>
        tpu.wait_dma2 semaphore(%arg12 : memref<!tpu.dma_semaphore, #tpu.memory_space<semaphore_mem>>) src(%dma_wait3A_346 : memref<64x128xf32, #tpu.memory_space<vmem>>) dst(%dma_wait3A_342 : memref<64x128xf32, #tpu.memory_space<hbm>>)
      } else {
      }
      %dma_wait3A_157 = arith.constant 0 : i32
      %dma_wait3A_158 = arith.constant 0 : i32
      %dma_wait3A_159 = arith.constant 0 : i32
      %dma_wait3A_160 = arith.constant 0 : i32
      %dma_wait3A_161 = arith.constant 0 : i32
      %dma_wait3A_162 = arith.constant 0 : i32
      %dma_wait3A_163 = tpu.memref_slice %arg8[%dma_wait3A_159, %dma_wait3A_160, %dma_wait3A_161, %dma_wait3A_162] : memref<2x4x64x128xf32, #tpu.memory_space<vmem>> -> memref<1x1x64x128xf32, #tpu.memory_space<vmem>>
      %dma_wait3A_164 = tpu.memref_squeeze %dma_wait3A_163 : memref<1x1x64x128xf32, #tpu.memory_space<vmem>> -> memref<64x128xf32, #tpu.memory_space<vmem>>
      %dma_wait3A_165 = arith.constant 0 : i32
      %dma_wait3A_166 = tpu.memref_slice %arg6[%dma_wait3A_157, %dma_wait3A_158, %dma_wait3A_165] : memref<32x4x64xi32, #tpu.memory_space<vmem>> -> memref<1x1x64xi32, #tpu.memory_space<vmem>>
      %dma_wait3A_167 = tpu.memref_squeeze %dma_wait3A_166 : memref<1x1x64xi32, #tpu.memory_space<vmem>> -> memref<64xi32, #tpu.memory_space<vmem>>
      %dma_wait3A_168 = arith.constant 0 : i32
      %dma_wait3A_169 = arith.constant 0 : i32
      %dma_wait3A_170 = tpu.memref_slice %arg2[%dma_wait3A_168, %dma_wait3A_169] : memref<259200x128xf32, #tpu.memory_space<hbm>> -> memref<259200x128xf32, #tpu.memory_space<hbm>>
      tpu.wait_indirect_dma semaphore(%arg10 : memref<!tpu.dma_semaphore, #tpu.memory_space<semaphore_mem>>) src(%dma_wait3A_170 : memref<259200x128xf32, #tpu.memory_space<hbm>>) dst(%dma_wait3A_164 : memref<64x128xf32, #tpu.memory_space<vmem>>)
      %dma_wait3A_171 = arith.constant 0 : i32
      %dma_wait3A_172 = arith.constant 1 : i32
      %dma_wait3A_173 = arith.constant 0 : i32
      %dma_wait3A_174 = arith.constant 1 : i32
      %dma_wait3A_175 = arith.constant 0 : i32
      %dma_wait3A_176 = arith.constant 0 : i32
      %dma_wait3A_177 = tpu.memref_slice %arg8[%dma_wait3A_173, %dma_wait3A_174, %dma_wait3A_175, %dma_wait3A_176] : memref<2x4x64x128xf32, #tpu.memory_space<vmem>> -> memref<1x1x64x128xf32, #tpu.memory_space<vmem>>
      %dma_wait3A_178 = tpu.memref_squeeze %dma_wait3A_177 : memref<1x1x64x128xf32, #tpu.memory_space<vmem>> -> memref<64x128xf32, #tpu.memory_space<vmem>>
      %dma_wait3A_179 = arith.constant 0 : i32
      %dma_wait3A_180 = tpu.memref_slice %arg6[%dma_wait3A_171, %dma_wait3A_172, %dma_wait3A_179] : memref<32x4x64xi32, #tpu.memory_space<vmem>> -> memref<1x1x64xi32, #tpu.memory_space<vmem>>
      %dma_wait3A_181 = tpu.memref_squeeze %dma_wait3A_180 : memref<1x1x64xi32, #tpu.memory_space<vmem>> -> memref<64xi32, #tpu.memory_space<vmem>>
      %dma_wait3A_182 = arith.constant 0 : i32
      %dma_wait3A_183 = arith.constant 0 : i32
      %dma_wait3A_184 = tpu.memref_slice %arg2[%dma_wait3A_182, %dma_wait3A_183] : memref<259200x128xf32, #tpu.memory_space<hbm>> -> memref<259200x128xf32, #tpu.memory_space<hbm>>
      tpu.wait_indirect_dma semaphore(%arg10 : memref<!tpu.dma_semaphore, #tpu.memory_space<semaphore_mem>>) src(%dma_wait3A_184 : memref<259200x128xf32, #tpu.memory_space<hbm>>) dst(%dma_wait3A_178 : memref<64x128xf32, #tpu.memory_space<vmem>>)
      %dma_wait3A_185 = arith.constant 0 : i32
      %dma_wait3A_186 = arith.constant 2 : i32
      %dma_wait3A_187 = arith.constant 0 : i32
      %dma_wait3A_188 = arith.constant 2 : i32
      %dma_wait3A_189 = arith.constant 0 : i32
      %dma_wait3A_190 = arith.constant 0 : i32
      %dma_wait3A_191 = tpu.memref_slice %arg8[%dma_wait3A_187, %dma_wait3A_188, %dma_wait3A_189, %dma_wait3A_190] : memref<2x4x64x128xf32, #tpu.memory_space<vmem>> -> memref<1x1x64x128xf32, #tpu.memory_space<vmem>>
      %dma_wait3A_192 = tpu.memref_squeeze %dma_wait3A_191 : memref<1x1x64x128xf32, #tpu.memory_space<vmem>> -> memref<64x128xf32, #tpu.memory_space<vmem>>
      %dma_wait3A_193 = arith.constant 0 : i32
      %dma_wait3A_194 = tpu.memref_slice %arg6[%dma_wait3A_185, %dma_wait3A_186, %dma_wait3A_193] : memref<32x4x64xi32, #tpu.memory_space<vmem>> -> memref<1x1x64xi32, #tpu.memory_space<vmem>>
      %dma_wait3A_195 = tpu.memref_squeeze %dma_wait3A_194 : memref<1x1x64xi32, #tpu.memory_space<vmem>> -> memref<64xi32, #tpu.memory_space<vmem>>
      %dma_wait3A_196 = arith.constant 0 : i32
      %dma_wait3A_197 = arith.constant 0 : i32
      %dma_wait3A_198 = tpu.memref_slice %arg2[%dma_wait3A_196, %dma_wait3A_197] : memref<259200x128xf32, #tpu.memory_space<hbm>> -> memref<259200x128xf32, #tpu.memory_space<hbm>>
      tpu.wait_indirect_dma semaphore(%arg10 : memref<!tpu.dma_semaphore, #tpu.memory_space<semaphore_mem>>) src(%dma_wait3A_198 : memref<259200x128xf32, #tpu.memory_space<hbm>>) dst(%dma_wait3A_192 : memref<64x128xf32, #tpu.memory_space<vmem>>)
      %dma_wait3A_199 = arith.constant 0 : i32
      %dma_wait3A_200 = arith.constant 3 : i32
      %dma_wait3A_201 = arith.constant 0 : i32
      %dma_wait3A_202 = arith.constant 3 : i32
      %dma_wait3A_203 = arith.constant 0 : i32
      %dma_wait3A_204 = arith.constant 0 : i32
      %dma_wait3A_205 = tpu.memref_slice %arg8[%dma_wait3A_201, %dma_wait3A_202, %dma_wait3A_203, %dma_wait3A_204] : memref<2x4x64x128xf32, #tpu.memory_space<vmem>> -> memref<1x1x64x128xf32, #tpu.memory_space<vmem>>
      %dma_wait3A_206 = tpu.memref_squeeze %dma_wait3A_205 : memref<1x1x64x128xf32, #tpu.memory_space<vmem>> -> memref<64x128xf32, #tpu.memory_space<vmem>>
      %dma_wait3A_207 = arith.constant 0 : i32
      %dma_wait3A_208 = tpu.memref_slice %arg6[%dma_wait3A_199, %dma_wait3A_200, %dma_wait3A_207] : memref<32x4x64xi32, #tpu.memory_space<vmem>> -> memref<1x1x64xi32, #tpu.memory_space<vmem>>
      %dma_wait3A_209 = tpu.memref_squeeze %dma_wait3A_208 : memref<1x1x64xi32, #tpu.memory_space<vmem>> -> memref<64xi32, #tpu.memory_space<vmem>>
      %dma_wait3A_210 = arith.constant 0 : i32
      %dma_wait3A_211 = arith.constant 0 : i32
      %dma_wait3A_212 = tpu.memref_slice %arg2[%dma_wait3A_210, %dma_wait3A_211] : memref<259200x128xf32, #tpu.memory_space<hbm>> -> memref<259200x128xf32, #tpu.memory_space<hbm>>
      tpu.wait_indirect_dma semaphore(%arg10 : memref<!tpu.dma_semaphore, #tpu.memory_space<semaphore_mem>>) src(%dma_wait3A_212 : memref<259200x128xf32, #tpu.memory_space<hbm>>) dst(%dma_wait3A_206 : memref<64x128xf32, #tpu.memory_space<vmem>>)
      %mul3A_213 = arith.constant 256 : i32
      %mul3A_214 = arith.muli %add3A_154, %mul3A_213 : i32
      %parallel_loop3A = arith.constant 0 : i32
      %parallel_loop3A_215 = arith.constant 64 : i32
      %parallel_loop3A_216 = arith.constant 1 : i32
      scf.for %parallel_loop3A_332 = %parallel_loop3A to %parallel_loop3A_215 step %parallel_loop3A_216  : i32 {
        %parallel_loop3A_333 = arith.constant 0 : i32
        %parallel_loop3A_334 = vector.broadcast %parallel_loop3A_333 : i32 to vector<16xi32>
        %parallel_loop3A_335 = arith.addi %mul3A_214, %parallel_loop3A_332 : i32
        %parallel_loop3A_336 = vector.broadcast %parallel_loop3A_335 : i32 to vector<16xi32>
        %parallel_loop3A_337 = arith.addi %parallel_loop3A_334, %parallel_loop3A_336 : vector<16xi32>
        %parallel_loop3A_338 = tpu.vector_load_idx %arg7[%parallel_loop3A_337] : memref<8192xf32, #tpu.memory_space<vmem>>[vector<16xi32>], vector<16xf32>,
        %parallel_loop3A_339 = arith.constant 64 : i32
        %parallel_loop3A_340 = vector.broadcast %parallel_loop3A_339 : i32 to vector<16xi32>
        %parallel_loop3A_341 = arith.addi %mul3A_214, %parallel_loop3A_332 : i32
        %parallel_loop3A_342 = vector.broadcast %parallel_loop3A_341 : i32 to vector<16xi32>
        %parallel_loop3A_343 = arith.addi %parallel_loop3A_340, %parallel_loop3A_342 : vector<16xi32>
        %parallel_loop3A_344 = tpu.vector_load_idx %arg7[%parallel_loop3A_343] : memref<8192xf32, #tpu.memory_space<vmem>>[vector<16xi32>], vector<16xf32>,
        %parallel_loop3A_345 = arith.constant 128 : i32
        %parallel_loop3A_346 = vector.broadcast %parallel_loop3A_345 : i32 to vector<16xi32>
        %parallel_loop3A_347 = arith.addi %mul3A_214, %parallel_loop3A_332 : i32
        %parallel_loop3A_348 = vector.broadcast %parallel_loop3A_347 : i32 to vector<16xi32>
        %parallel_loop3A_349 = arith.addi %parallel_loop3A_346, %parallel_loop3A_348 : vector<16xi32>
        %parallel_loop3A_350 = tpu.vector_load_idx %arg7[%parallel_loop3A_349] : memref<8192xf32, #tpu.memory_space<vmem>>[vector<16xi32>], vector<16xf32>,
        %parallel_loop3A_351 = arith.constant 192 : i32
        %parallel_loop3A_352 = vector.broadcast %parallel_loop3A_351 : i32 to vector<16xi32>
        %parallel_loop3A_353 = arith.addi %mul3A_214, %parallel_loop3A_332 : i32
        %parallel_loop3A_354 = vector.broadcast %parallel_loop3A_353 : i32 to vector<16xi32>
        %parallel_loop3A_355 = arith.addi %parallel_loop3A_352, %parallel_loop3A_354 : vector<16xi32>
        %parallel_loop3A_356 = tpu.vector_load_idx %arg7[%parallel_loop3A_355] : memref<8192xf32, #tpu.memory_space<vmem>>[vector<16xi32>], vector<16xf32>,
        %parallel_loop3A_357 = arith.constant 0 : i32
        %parallel_loop3A_358 = arith.constant 0 : i32
        %parallel_loop3A_359 = arith.index_cast %parallel_loop3A_357 : i32 to index
        %parallel_loop3A_360 = arith.index_cast %parallel_loop3A_358 : i32 to index
        %parallel_loop3A_361 = arith.index_cast %parallel_loop3A_332 : i32 to index
        %parallel_loop3A_362 = arith.constant 0 : index
        %parallel_loop3A_363 = tpu.vector_load %arg8[%parallel_loop3A_359, %parallel_loop3A_360, %parallel_loop3A_361, %parallel_loop3A_362] {strides = array<i32>} : memref<2x4x64x128xf32, #tpu.memory_space<vmem>>, vector<16xf32>,
        %parallel_loop3A_364 = arith.mulf %parallel_loop3A_338, %parallel_loop3A_363 : vector<16xf32>
        %parallel_loop3A_365 = arith.constant 0 : i32
        %parallel_loop3A_366 = arith.constant 1 : i32
        %parallel_loop3A_367 = arith.index_cast %parallel_loop3A_365 : i32 to index
        %parallel_loop3A_368 = arith.index_cast %parallel_loop3A_366 : i32 to index
        %parallel_loop3A_369 = arith.index_cast %parallel_loop3A_332 : i32 to index
        %parallel_loop3A_370 = arith.constant 0 : index
        %parallel_loop3A_371 = tpu.vector_load %arg8[%parallel_loop3A_367, %parallel_loop3A_368, %parallel_loop3A_369, %parallel_loop3A_370] {strides = array<i32>} : memref<2x4x64x128xf32, #tpu.memory_space<vmem>>, vector<16xf32>,
        %parallel_loop3A_372 = arith.mulf %parallel_loop3A_344, %parallel_loop3A_371 : vector<16xf32>
        %parallel_loop3A_373 = arith.addf %parallel_loop3A_364, %parallel_loop3A_372 : vector<16xf32>
        %parallel_loop3A_374 = arith.constant 0 : i32
        %parallel_loop3A_375 = arith.constant 2 : i32
        %parallel_loop3A_376 = arith.index_cast %parallel_loop3A_374 : i32 to index
        %parallel_loop3A_377 = arith.index_cast %parallel_loop3A_375 : i32 to index
        %parallel_loop3A_378 = arith.index_cast %parallel_loop3A_332 : i32 to index
        %parallel_loop3A_379 = arith.constant 0 : index
        %parallel_loop3A_380 = tpu.vector_load %arg8[%parallel_loop3A_376, %parallel_loop3A_377, %parallel_loop3A_378, %parallel_loop3A_379] {strides = array<i32>} : memref<2x4x64x128xf32, #tpu.memory_space<vmem>>, vector<16xf32>,
        %parallel_loop3A_381 = arith.mulf %parallel_loop3A_350, %parallel_loop3A_380 : vector<16xf32>
        %parallel_loop3A_382 = arith.constant 0 : i32
        %parallel_loop3A_383 = arith.constant 3 : i32
        %parallel_loop3A_384 = arith.index_cast %parallel_loop3A_382 : i32 to index
        %parallel_loop3A_385 = arith.index_cast %parallel_loop3A_383 : i32 to index
        %parallel_loop3A_386 = arith.index_cast %parallel_loop3A_332 : i32 to index
        %parallel_loop3A_387 = arith.constant 0 : index
        %parallel_loop3A_388 = tpu.vector_load %arg8[%parallel_loop3A_384, %parallel_loop3A_385, %parallel_loop3A_386, %parallel_loop3A_387] {strides = array<i32>} : memref<2x4x64x128xf32, #tpu.memory_space<vmem>>, vector<16xf32>,
        %parallel_loop3A_389 = arith.mulf %parallel_loop3A_356, %parallel_loop3A_388 : vector<16xf32>
        %parallel_loop3A_390 = arith.addf %parallel_loop3A_381, %parallel_loop3A_389 : vector<16xf32>
        %parallel_loop3A_391 = arith.addf %parallel_loop3A_373, %parallel_loop3A_390 : vector<16xf32>
        %parallel_loop3A_392 = arith.constant 0 : i32
        %parallel_loop3A_393 = arith.index_cast %parallel_loop3A_392 : i32 to index
        %parallel_loop3A_394 = arith.index_cast %parallel_loop3A_332 : i32 to index
        %parallel_loop3A_395 = arith.constant 0 : index
        %parallel_loop3A_396 = tpu.vector_load %arg9[%parallel_loop3A_393, %parallel_loop3A_394, %parallel_loop3A_395] {strides = array<i32>} : memref<2x64x128xf32, #tpu.memory_space<vmem>>, vector<16xf32>,
        tpu.vector_store %arg9[%parallel_loop3A_393, %parallel_loop3A_394, %parallel_loop3A_395], %parallel_loop3A_391 {strides = array<i32>} : memref<2x64x128xf32, #tpu.memory_space<vmem>>, vector<16xf32>,
        %parallel_loop3A_397 = arith.constant 0 : i32
        %parallel_loop3A_398 = arith.constant 0 : i32
        %parallel_loop3A_399 = arith.index_cast %parallel_loop3A_397 : i32 to index
        %parallel_loop3A_400 = arith.index_cast %parallel_loop3A_398 : i32 to index
        %parallel_loop3A_401 = arith.index_cast %parallel_loop3A_332 : i32 to index
        %parallel_loop3A_402 = arith.constant 16 : index
        %parallel_loop3A_403 = tpu.vector_load %arg8[%parallel_loop3A_399, %parallel_loop3A_400, %parallel_loop3A_401, %parallel_loop3A_402] {strides = array<i32>} : memref<2x4x64x128xf32, #tpu.memory_space<vmem>>, vector<16xf32>,
        %parallel_loop3A_404 = arith.mulf %parallel_loop3A_338, %parallel_loop3A_403 : vector<16xf32>
        %parallel_loop3A_405 = arith.constant 0 : i32
        %parallel_loop3A_406 = arith.constant 1 : i32
        %parallel_loop3A_407 = arith.index_cast %parallel_loop3A_405 : i32 to index
        %parallel_loop3A_408 = arith.index_cast %parallel_loop3A_406 : i32 to index
        %parallel_loop3A_409 = arith.index_cast %parallel_loop3A_332 : i32 to index
        %parallel_loop3A_410 = arith.constant 16 : index
        %parallel_loop3A_411 = tpu.vector_load %arg8[%parallel_loop3A_407, %parallel_loop3A_408, %parallel_loop3A_409, %parallel_loop3A_410] {strides = array<i32>} : memref<2x4x64x128xf32, #tpu.memory_space<vmem>>, vector<16xf32>,
        %parallel_loop3A_412 = arith.mulf %parallel_loop3A_344, %parallel_loop3A_411 : vector<16xf32>
        %parallel_loop3A_413 = arith.addf %parallel_loop3A_404, %parallel_loop3A_412 : vector<16xf32>
        %parallel_loop3A_414 = arith.constant 0 : i32
        %parallel_loop3A_415 = arith.constant 2 : i32
        %parallel_loop3A_416 = arith.index_cast %parallel_loop3A_414 : i32 to index
        %parallel_loop3A_417 = arith.index_cast %parallel_loop3A_415 : i32 to index
        %parallel_loop3A_418 = arith.index_cast %parallel_loop3A_332 : i32 to index
        %parallel_loop3A_419 = arith.constant 16 : index
        %parallel_loop3A_420 = tpu.vector_load %arg8[%parallel_loop3A_416, %parallel_loop3A_417, %parallel_loop3A_418, %parallel_loop3A_419] {strides = array<i32>} : memref<2x4x64x128xf32, #tpu.memory_space<vmem>>, vector<16xf32>,
        %parallel_loop3A_421 = arith.mulf %parallel_loop3A_350, %parallel_loop3A_420 : vector<16xf32>
        %parallel_loop3A_422 = arith.constant 0 : i32
        %parallel_loop3A_423 = arith.constant 3 : i32
        %parallel_loop3A_424 = arith.index_cast %parallel_loop3A_422 : i32 to index
        %parallel_loop3A_425 = arith.index_cast %parallel_loop3A_423 : i32 to index
        %parallel_loop3A_426 = arith.index_cast %parallel_loop3A_332 : i32 to index
        %parallel_loop3A_427 = arith.constant 16 : index
        %parallel_loop3A_428 = tpu.vector_load %arg8[%parallel_loop3A_424, %parallel_loop3A_425, %parallel_loop3A_426, %parallel_loop3A_427] {strides = array<i32>} : memref<2x4x64x128xf32, #tpu.memory_space<vmem>>, vector<16xf32>,
        %parallel_loop3A_429 = arith.mulf %parallel_loop3A_356, %parallel_loop3A_428 : vector<16xf32>
        %parallel_loop3A_430 = arith.addf %parallel_loop3A_421, %parallel_loop3A_429 : vector<16xf32>
        %parallel_loop3A_431 = arith.addf %parallel_loop3A_413, %parallel_loop3A_430 : vector<16xf32>
        %parallel_loop3A_432 = arith.constant 0 : i32
        %parallel_loop3A_433 = arith.index_cast %parallel_loop3A_432 : i32 to index
        %parallel_loop3A_434 = arith.index_cast %parallel_loop3A_332 : i32 to index
        %parallel_loop3A_435 = arith.constant 16 : index
        %parallel_loop3A_436 = tpu.vector_load %arg9[%parallel_loop3A_433, %parallel_loop3A_434, %parallel_loop3A_435] {strides = array<i32>} : memref<2x64x128xf32, #tpu.memory_space<vmem>>, vector<16xf32>,
        tpu.vector_store %arg9[%parallel_loop3A_433, %parallel_loop3A_434, %parallel_loop3A_435], %parallel_loop3A_431 {strides = array<i32>} : memref<2x64x128xf32, #tpu.memory_space<vmem>>, vector<16xf32>,
        %parallel_loop3A_437 = arith.constant 0 : i32
        %parallel_loop3A_438 = arith.constant 0 : i32
        %parallel_loop3A_439 = arith.index_cast %parallel_loop3A_437 : i32 to index
        %parallel_loop3A_440 = arith.index_cast %parallel_loop3A_438 : i32 to index
        %parallel_loop3A_441 = arith.index_cast %parallel_loop3A_332 : i32 to index
        %parallel_loop3A_442 = arith.constant 32 : index
        %parallel_loop3A_443 = tpu.vector_load %arg8[%parallel_loop3A_439, %parallel_loop3A_440, %parallel_loop3A_441, %parallel_loop3A_442] {strides = array<i32>} : memref<2x4x64x128xf32, #tpu.memory_space<vmem>>, vector<16xf32>,
        %parallel_loop3A_444 = arith.mulf %parallel_loop3A_338, %parallel_loop3A_443 : vector<16xf32>
        %parallel_loop3A_445 = arith.constant 0 : i32
        %parallel_loop3A_446 = arith.constant 1 : i32
        %parallel_loop3A_447 = arith.index_cast %parallel_loop3A_445 : i32 to index
        %parallel_loop3A_448 = arith.index_cast %parallel_loop3A_446 : i32 to index
        %parallel_loop3A_449 = arith.index_cast %parallel_loop3A_332 : i32 to index
        %parallel_loop3A_450 = arith.constant 32 : index
        %parallel_loop3A_451 = tpu.vector_load %arg8[%parallel_loop3A_447, %parallel_loop3A_448, %parallel_loop3A_449, %parallel_loop3A_450] {strides = array<i32>} : memref<2x4x64x128xf32, #tpu.memory_space<vmem>>, vector<16xf32>,
        %parallel_loop3A_452 = arith.mulf %parallel_loop3A_344, %parallel_loop3A_451 : vector<16xf32>
        %parallel_loop3A_453 = arith.addf %parallel_loop3A_444, %parallel_loop3A_452 : vector<16xf32>
        %parallel_loop3A_454 = arith.constant 0 : i32
        %parallel_loop3A_455 = arith.constant 2 : i32
        %parallel_loop3A_456 = arith.index_cast %parallel_loop3A_454 : i32 to index
        %parallel_loop3A_457 = arith.index_cast %parallel_loop3A_455 : i32 to index
        %parallel_loop3A_458 = arith.index_cast %parallel_loop3A_332 : i32 to index
        %parallel_loop3A_459 = arith.constant 32 : index
        %parallel_loop3A_460 = tpu.vector_load %arg8[%parallel_loop3A_456, %parallel_loop3A_457, %parallel_loop3A_458, %parallel_loop3A_459] {strides = array<i32>} : memref<2x4x64x128xf32, #tpu.memory_space<vmem>>, vector<16xf32>,
        %parallel_loop3A_461 = arith.mulf %parallel_loop3A_350, %parallel_loop3A_460 : vector<16xf32>
        %parallel_loop3A_462 = arith.constant 0 : i32
        %parallel_loop3A_463 = arith.constant 3 : i32
        %parallel_loop3A_464 = arith.index_cast %parallel_loop3A_462 : i32 to index
        %parallel_loop3A_465 = arith.index_cast %parallel_loop3A_463 : i32 to index
        %parallel_loop3A_466 = arith.index_cast %parallel_loop3A_332 : i32 to index
        %parallel_loop3A_467 = arith.constant 32 : index
        %parallel_loop3A_468 = tpu.vector_load %arg8[%parallel_loop3A_464, %parallel_loop3A_465, %parallel_loop3A_466, %parallel_loop3A_467] {strides = array<i32>} : memref<2x4x64x128xf32, #tpu.memory_space<vmem>>, vector<16xf32>,
        %parallel_loop3A_469 = arith.mulf %parallel_loop3A_356, %parallel_loop3A_468 : vector<16xf32>
        %parallel_loop3A_470 = arith.addf %parallel_loop3A_461, %parallel_loop3A_469 : vector<16xf32>
        %parallel_loop3A_471 = arith.addf %parallel_loop3A_453, %parallel_loop3A_470 : vector<16xf32>
        %parallel_loop3A_472 = arith.constant 0 : i32
        %parallel_loop3A_473 = arith.index_cast %parallel_loop3A_472 : i32 to index
        %parallel_loop3A_474 = arith.index_cast %parallel_loop3A_332 : i32 to index
        %parallel_loop3A_475 = arith.constant 32 : index
        %parallel_loop3A_476 = tpu.vector_load %arg9[%parallel_loop3A_473, %parallel_loop3A_474, %parallel_loop3A_475] {strides = array<i32>} : memref<2x64x128xf32, #tpu.memory_space<vmem>>, vector<16xf32>,
        tpu.vector_store %arg9[%parallel_loop3A_473, %parallel_loop3A_474, %parallel_loop3A_475], %parallel_loop3A_471 {strides = array<i32>} : memref<2x64x128xf32, #tpu.memory_space<vmem>>, vector<16xf32>,
        %parallel_loop3A_477 = arith.constant 0 : i32
        %parallel_loop3A_478 = arith.constant 0 : i32
        %parallel_loop3A_479 = arith.index_cast %parallel_loop3A_477 : i32 to index
        %parallel_loop3A_480 = arith.index_cast %parallel_loop3A_478 : i32 to index
        %parallel_loop3A_481 = arith.index_cast %parallel_loop3A_332 : i32 to index
        %parallel_loop3A_482 = arith.constant 48 : index
        %parallel_loop3A_483 = tpu.vector_load %arg8[%parallel_loop3A_479, %parallel_loop3A_480, %parallel_loop3A_481, %parallel_loop3A_482] {strides = array<i32>} : memref<2x4x64x128xf32, #tpu.memory_space<vmem>>, vector<16xf32>,
        %parallel_loop3A_484 = arith.mulf %parallel_loop3A_338, %parallel_loop3A_483 : vector<16xf32>
        %parallel_loop3A_485 = arith.constant 0 : i32
        %parallel_loop3A_486 = arith.constant 1 : i32
        %parallel_loop3A_487 = arith.index_cast %parallel_loop3A_485 : i32 to index
        %parallel_loop3A_488 = arith.index_cast %parallel_loop3A_486 : i32 to index
        %parallel_loop3A_489 = arith.index_cast %parallel_loop3A_332 : i32 to index
        %parallel_loop3A_490 = arith.constant 48 : index
        %parallel_loop3A_491 = tpu.vector_load %arg8[%parallel_loop3A_487, %parallel_loop3A_488, %parallel_loop3A_489, %parallel_loop3A_490] {strides = array<i32>} : memref<2x4x64x128xf32, #tpu.memory_space<vmem>>, vector<16xf32>,
        %parallel_loop3A_492 = arith.mulf %parallel_loop3A_344, %parallel_loop3A_491 : vector<16xf32>
        %parallel_loop3A_493 = arith.addf %parallel_loop3A_484, %parallel_loop3A_492 : vector<16xf32>
        %parallel_loop3A_494 = arith.constant 0 : i32
        %parallel_loop3A_495 = arith.constant 2 : i32
        %parallel_loop3A_496 = arith.index_cast %parallel_loop3A_494 : i32 to index
        %parallel_loop3A_497 = arith.index_cast %parallel_loop3A_495 : i32 to index
        %parallel_loop3A_498 = arith.index_cast %parallel_loop3A_332 : i32 to index
        %parallel_loop3A_499 = arith.constant 48 : index
        %parallel_loop3A_500 = tpu.vector_load %arg8[%parallel_loop3A_496, %parallel_loop3A_497, %parallel_loop3A_498, %parallel_loop3A_499] {strides = array<i32>} : memref<2x4x64x128xf32, #tpu.memory_space<vmem>>, vector<16xf32>,
        %parallel_loop3A_501 = arith.mulf %parallel_loop3A_350, %parallel_loop3A_500 : vector<16xf32>
        %parallel_loop3A_502 = arith.constant 0 : i32
        %parallel_loop3A_503 = arith.constant 3 : i32
        %parallel_loop3A_504 = arith.index_cast %parallel_loop3A_502 : i32 to index
        %parallel_loop3A_505 = arith.index_cast %parallel_loop3A_503 : i32 to index
        %parallel_loop3A_506 = arith.index_cast %parallel_loop3A_332 : i32 to index
        %parallel_loop3A_507 = arith.constant 48 : index
        %parallel_loop3A_508 = tpu.vector_load %arg8[%parallel_loop3A_504, %parallel_loop3A_505, %parallel_loop3A_506, %parallel_loop3A_507] {strides = array<i32>} : memref<2x4x64x128xf32, #tpu.memory_space<vmem>>, vector<16xf32>,
        %parallel_loop3A_509 = arith.mulf %parallel_loop3A_356, %parallel_loop3A_508 : vector<16xf32>
        %parallel_loop3A_510 = arith.addf %parallel_loop3A_501, %parallel_loop3A_509 : vector<16xf32>
        %parallel_loop3A_511 = arith.addf %parallel_loop3A_493, %parallel_loop3A_510 : vector<16xf32>
        %parallel_loop3A_512 = arith.constant 0 : i32
        %parallel_loop3A_513 = arith.index_cast %parallel_loop3A_512 : i32 to index
        %parallel_loop3A_514 = arith.index_cast %parallel_loop3A_332 : i32 to index
        %parallel_loop3A_515 = arith.constant 48 : index
        %parallel_loop3A_516 = tpu.vector_load %arg9[%parallel_loop3A_513, %parallel_loop3A_514, %parallel_loop3A_515] {strides = array<i32>} : memref<2x64x128xf32, #tpu.memory_space<vmem>>, vector<16xf32>,
        tpu.vector_store %arg9[%parallel_loop3A_513, %parallel_loop3A_514, %parallel_loop3A_515], %parallel_loop3A_511 {strides = array<i32>} : memref<2x64x128xf32, #tpu.memory_space<vmem>>, vector<16xf32>,
        %parallel_loop3A_517 = arith.constant 0 : i32
        %parallel_loop3A_518 = arith.constant 0 : i32
        %parallel_loop3A_519 = arith.index_cast %parallel_loop3A_517 : i32 to index
        %parallel_loop3A_520 = arith.index_cast %parallel_loop3A_518 : i32 to index
        %parallel_loop3A_521 = arith.index_cast %parallel_loop3A_332 : i32 to index
        %parallel_loop3A_522 = arith.constant 64 : index
        %parallel_loop3A_523 = tpu.vector_load %arg8[%parallel_loop3A_519, %parallel_loop3A_520, %parallel_loop3A_521, %parallel_loop3A_522] {strides = array<i32>} : memref<2x4x64x128xf32, #tpu.memory_space<vmem>>, vector<16xf32>,
        %parallel_loop3A_524 = arith.mulf %parallel_loop3A_338, %parallel_loop3A_523 : vector<16xf32>
        %parallel_loop3A_525 = arith.constant 0 : i32
        %parallel_loop3A_526 = arith.constant 1 : i32
        %parallel_loop3A_527 = arith.index_cast %parallel_loop3A_525 : i32 to index
        %parallel_loop3A_528 = arith.index_cast %parallel_loop3A_526 : i32 to index
        %parallel_loop3A_529 = arith.index_cast %parallel_loop3A_332 : i32 to index
        %parallel_loop3A_530 = arith.constant 64 : index
        %parallel_loop3A_531 = tpu.vector_load %arg8[%parallel_loop3A_527, %parallel_loop3A_528, %parallel_loop3A_529, %parallel_loop3A_530] {strides = array<i32>} : memref<2x4x64x128xf32, #tpu.memory_space<vmem>>, vector<16xf32>,
        %parallel_loop3A_532 = arith.mulf %parallel_loop3A_344, %parallel_loop3A_531 : vector<16xf32>
        %parallel_loop3A_533 = arith.addf %parallel_loop3A_524, %parallel_loop3A_532 : vector<16xf32>
        %parallel_loop3A_534 = arith.constant 0 : i32
        %parallel_loop3A_535 = arith.constant 2 : i32
        %parallel_loop3A_536 = arith.index_cast %parallel_loop3A_534 : i32 to index
        %parallel_loop3A_537 = arith.index_cast %parallel_loop3A_535 : i32 to index
        %parallel_loop3A_538 = arith.index_cast %parallel_loop3A_332 : i32 to index
        %parallel_loop3A_539 = arith.constant 64 : index
        %parallel_loop3A_540 = tpu.vector_load %arg8[%parallel_loop3A_536, %parallel_loop3A_537, %parallel_loop3A_538, %parallel_loop3A_539] {strides = array<i32>} : memref<2x4x64x128xf32, #tpu.memory_space<vmem>>, vector<16xf32>,
        %parallel_loop3A_541 = arith.mulf %parallel_loop3A_350, %parallel_loop3A_540 : vector<16xf32>
        %parallel_loop3A_542 = arith.constant 0 : i32
        %parallel_loop3A_543 = arith.constant 3 : i32
        %parallel_loop3A_544 = arith.index_cast %parallel_loop3A_542 : i32 to index
        %parallel_loop3A_545 = arith.index_cast %parallel_loop3A_543 : i32 to index
        %parallel_loop3A_546 = arith.index_cast %parallel_loop3A_332 : i32 to index
        %parallel_loop3A_547 = arith.constant 64 : index
        %parallel_loop3A_548 = tpu.vector_load %arg8[%parallel_loop3A_544, %parallel_loop3A_545, %parallel_loop3A_546, %parallel_loop3A_547] {strides = array<i32>} : memref<2x4x64x128xf32, #tpu.memory_space<vmem>>, vector<16xf32>,
        %parallel_loop3A_549 = arith.mulf %parallel_loop3A_356, %parallel_loop3A_548 : vector<16xf32>
        %parallel_loop3A_550 = arith.addf %parallel_loop3A_541, %parallel_loop3A_549 : vector<16xf32>
        %parallel_loop3A_551 = arith.addf %parallel_loop3A_533, %parallel_loop3A_550 : vector<16xf32>
        %parallel_loop3A_552 = arith.constant 0 : i32
        %parallel_loop3A_553 = arith.index_cast %parallel_loop3A_552 : i32 to index
        %parallel_loop3A_554 = arith.index_cast %parallel_loop3A_332 : i32 to index
        %parallel_loop3A_555 = arith.constant 64 : index
        %parallel_loop3A_556 = tpu.vector_load %arg9[%parallel_loop3A_553, %parallel_loop3A_554, %parallel_loop3A_555] {strides = array<i32>} : memref<2x64x128xf32, #tpu.memory_space<vmem>>, vector<16xf32>,
        tpu.vector_store %arg9[%parallel_loop3A_553, %parallel_loop3A_554, %parallel_loop3A_555], %parallel_loop3A_551 {strides = array<i32>} : memref<2x64x128xf32, #tpu.memory_space<vmem>>, vector<16xf32>,
        %parallel_loop3A_557 = arith.constant 0 : i32
        %parallel_loop3A_558 = arith.constant 0 : i32
        %parallel_loop3A_559 = arith.index_cast %parallel_loop3A_557 : i32 to index
        %parallel_loop3A_560 = arith.index_cast %parallel_loop3A_558 : i32 to index
        %parallel_loop3A_561 = arith.index_cast %parallel_loop3A_332 : i32 to index
        %parallel_loop3A_562 = arith.constant 80 : index
        %parallel_loop3A_563 = tpu.vector_load %arg8[%parallel_loop3A_559, %parallel_loop3A_560, %parallel_loop3A_561, %parallel_loop3A_562] {strides = array<i32>} : memref<2x4x64x128xf32, #tpu.memory_space<vmem>>, vector<16xf32>,
        %parallel_loop3A_564 = arith.mulf %parallel_loop3A_338, %parallel_loop3A_563 : vector<16xf32>
        %parallel_loop3A_565 = arith.constant 0 : i32
        %parallel_loop3A_566 = arith.constant 1 : i32
        %parallel_loop3A_567 = arith.index_cast %parallel_loop3A_565 : i32 to index
        %parallel_loop3A_568 = arith.index_cast %parallel_loop3A_566 : i32 to index
        %parallel_loop3A_569 = arith.index_cast %parallel_loop3A_332 : i32 to index
        %parallel_loop3A_570 = arith.constant 80 : index
        %parallel_loop3A_571 = tpu.vector_load %arg8[%parallel_loop3A_567, %parallel_loop3A_568, %parallel_loop3A_569, %parallel_loop3A_570] {strides = array<i32>} : memref<2x4x64x128xf32, #tpu.memory_space<vmem>>, vector<16xf32>,
        %parallel_loop3A_572 = arith.mulf %parallel_loop3A_344, %parallel_loop3A_571 : vector<16xf32>
        %parallel_loop3A_573 = arith.addf %parallel_loop3A_564, %parallel_loop3A_572 : vector<16xf32>
        %parallel_loop3A_574 = arith.constant 0 : i32
        %parallel_loop3A_575 = arith.constant 2 : i32
        %parallel_loop3A_576 = arith.index_cast %parallel_loop3A_574 : i32 to index
        %parallel_loop3A_577 = arith.index_cast %parallel_loop3A_575 : i32 to index
        %parallel_loop3A_578 = arith.index_cast %parallel_loop3A_332 : i32 to index
        %parallel_loop3A_579 = arith.constant 80 : index
        %parallel_loop3A_580 = tpu.vector_load %arg8[%parallel_loop3A_576, %parallel_loop3A_577, %parallel_loop3A_578, %parallel_loop3A_579] {strides = array<i32>} : memref<2x4x64x128xf32, #tpu.memory_space<vmem>>, vector<16xf32>,
        %parallel_loop3A_581 = arith.mulf %parallel_loop3A_350, %parallel_loop3A_580 : vector<16xf32>
        %parallel_loop3A_582 = arith.constant 0 : i32
        %parallel_loop3A_583 = arith.constant 3 : i32
        %parallel_loop3A_584 = arith.index_cast %parallel_loop3A_582 : i32 to index
        %parallel_loop3A_585 = arith.index_cast %parallel_loop3A_583 : i32 to index
        %parallel_loop3A_586 = arith.index_cast %parallel_loop3A_332 : i32 to index
        %parallel_loop3A_587 = arith.constant 80 : index
        %parallel_loop3A_588 = tpu.vector_load %arg8[%parallel_loop3A_584, %parallel_loop3A_585, %parallel_loop3A_586, %parallel_loop3A_587] {strides = array<i32>} : memref<2x4x64x128xf32, #tpu.memory_space<vmem>>, vector<16xf32>,
        %parallel_loop3A_589 = arith.mulf %parallel_loop3A_356, %parallel_loop3A_588 : vector<16xf32>
        %parallel_loop3A_590 = arith.addf %parallel_loop3A_581, %parallel_loop3A_589 : vector<16xf32>
        %parallel_loop3A_591 = arith.addf %parallel_loop3A_573, %parallel_loop3A_590 : vector<16xf32>
        %parallel_loop3A_592 = arith.constant 0 : i32
        %parallel_loop3A_593 = arith.index_cast %parallel_loop3A_592 : i32 to index
        %parallel_loop3A_594 = arith.index_cast %parallel_loop3A_332 : i32 to index
        %parallel_loop3A_595 = arith.constant 80 : index
        %parallel_loop3A_596 = tpu.vector_load %arg9[%parallel_loop3A_593, %parallel_loop3A_594, %parallel_loop3A_595] {strides = array<i32>} : memref<2x64x128xf32, #tpu.memory_space<vmem>>, vector<16xf32>,
        tpu.vector_store %arg9[%parallel_loop3A_593, %parallel_loop3A_594, %parallel_loop3A_595], %parallel_loop3A_591 {strides = array<i32>} : memref<2x64x128xf32, #tpu.memory_space<vmem>>, vector<16xf32>,
        %parallel_loop3A_597 = arith.constant 0 : i32
        %parallel_loop3A_598 = arith.constant 0 : i32
        %parallel_loop3A_599 = arith.index_cast %parallel_loop3A_597 : i32 to index
        %parallel_loop3A_600 = arith.index_cast %parallel_loop3A_598 : i32 to index
        %parallel_loop3A_601 = arith.index_cast %parallel_loop3A_332 : i32 to index
        %parallel_loop3A_602 = arith.constant 96 : index
        %parallel_loop3A_603 = tpu.vector_load %arg8[%parallel_loop3A_599, %parallel_loop3A_600, %parallel_loop3A_601, %parallel_loop3A_602] {strides = array<i32>} : memref<2x4x64x128xf32, #tpu.memory_space<vmem>>, vector<16xf32>,
        %parallel_loop3A_604 = arith.mulf %parallel_loop3A_338, %parallel_loop3A_603 : vector<16xf32>
        %parallel_loop3A_605 = arith.constant 0 : i32
        %parallel_loop3A_606 = arith.constant 1 : i32
        %parallel_loop3A_607 = arith.index_cast %parallel_loop3A_605 : i32 to index
        %parallel_loop3A_608 = arith.index_cast %parallel_loop3A_606 : i32 to index
        %parallel_loop3A_609 = arith.index_cast %parallel_loop3A_332 : i32 to index
        %parallel_loop3A_610 = arith.constant 96 : index
        %parallel_loop3A_611 = tpu.vector_load %arg8[%parallel_loop3A_607, %parallel_loop3A_608, %parallel_loop3A_609, %parallel_loop3A_610] {strides = array<i32>} : memref<2x4x64x128xf32, #tpu.memory_space<vmem>>, vector<16xf32>,
        %parallel_loop3A_612 = arith.mulf %parallel_loop3A_344, %parallel_loop3A_611 : vector<16xf32>
        %parallel_loop3A_613 = arith.addf %parallel_loop3A_604, %parallel_loop3A_612 : vector<16xf32>
        %parallel_loop3A_614 = arith.constant 0 : i32
        %parallel_loop3A_615 = arith.constant 2 : i32
        %parallel_loop3A_616 = arith.index_cast %parallel_loop3A_614 : i32 to index
        %parallel_loop3A_617 = arith.index_cast %parallel_loop3A_615 : i32 to index
        %parallel_loop3A_618 = arith.index_cast %parallel_loop3A_332 : i32 to index
        %parallel_loop3A_619 = arith.constant 96 : index
        %parallel_loop3A_620 = tpu.vector_load %arg8[%parallel_loop3A_616, %parallel_loop3A_617, %parallel_loop3A_618, %parallel_loop3A_619] {strides = array<i32>} : memref<2x4x64x128xf32, #tpu.memory_space<vmem>>, vector<16xf32>,
        %parallel_loop3A_621 = arith.mulf %parallel_loop3A_350, %parallel_loop3A_620 : vector<16xf32>
        %parallel_loop3A_622 = arith.constant 0 : i32
        %parallel_loop3A_623 = arith.constant 3 : i32
        %parallel_loop3A_624 = arith.index_cast %parallel_loop3A_622 : i32 to index
        %parallel_loop3A_625 = arith.index_cast %parallel_loop3A_623 : i32 to index
        %parallel_loop3A_626 = arith.index_cast %parallel_loop3A_332 : i32 to index
        %parallel_loop3A_627 = arith.constant 96 : index
        %parallel_loop3A_628 = tpu.vector_load %arg8[%parallel_loop3A_624, %parallel_loop3A_625, %parallel_loop3A_626, %parallel_loop3A_627] {strides = array<i32>} : memref<2x4x64x128xf32, #tpu.memory_space<vmem>>, vector<16xf32>,
        %parallel_loop3A_629 = arith.mulf %parallel_loop3A_356, %parallel_loop3A_628 : vector<16xf32>
        %parallel_loop3A_630 = arith.addf %parallel_loop3A_621, %parallel_loop3A_629 : vector<16xf32>
        %parallel_loop3A_631 = arith.addf %parallel_loop3A_613, %parallel_loop3A_630 : vector<16xf32>
        %parallel_loop3A_632 = arith.constant 0 : i32
        %parallel_loop3A_633 = arith.index_cast %parallel_loop3A_632 : i32 to index
        %parallel_loop3A_634 = arith.index_cast %parallel_loop3A_332 : i32 to index
        %parallel_loop3A_635 = arith.constant 96 : index
        %parallel_loop3A_636 = tpu.vector_load %arg9[%parallel_loop3A_633, %parallel_loop3A_634, %parallel_loop3A_635] {strides = array<i32>} : memref<2x64x128xf32, #tpu.memory_space<vmem>>, vector<16xf32>,
        tpu.vector_store %arg9[%parallel_loop3A_633, %parallel_loop3A_634, %parallel_loop3A_635], %parallel_loop3A_631 {strides = array<i32>} : memref<2x64x128xf32, #tpu.memory_space<vmem>>, vector<16xf32>,
        %parallel_loop3A_637 = arith.constant 0 : i32
        %parallel_loop3A_638 = arith.constant 0 : i32
        %parallel_loop3A_639 = arith.index_cast %parallel_loop3A_637 : i32 to index
        %parallel_loop3A_640 = arith.index_cast %parallel_loop3A_638 : i32 to index
        %parallel_loop3A_641 = arith.index_cast %parallel_loop3A_332 : i32 to index
        %parallel_loop3A_642 = arith.constant 112 : index
        %parallel_loop3A_643 = tpu.vector_load %arg8[%parallel_loop3A_639, %parallel_loop3A_640, %parallel_loop3A_641, %parallel_loop3A_642] {strides = array<i32>} : memref<2x4x64x128xf32, #tpu.memory_space<vmem>>, vector<16xf32>,
        %parallel_loop3A_644 = arith.mulf %parallel_loop3A_338, %parallel_loop3A_643 : vector<16xf32>
        %parallel_loop3A_645 = arith.constant 0 : i32
        %parallel_loop3A_646 = arith.constant 1 : i32
        %parallel_loop3A_647 = arith.index_cast %parallel_loop3A_645 : i32 to index
        %parallel_loop3A_648 = arith.index_cast %parallel_loop3A_646 : i32 to index
        %parallel_loop3A_649 = arith.index_cast %parallel_loop3A_332 : i32 to index
        %parallel_loop3A_650 = arith.constant 112 : index
        %parallel_loop3A_651 = tpu.vector_load %arg8[%parallel_loop3A_647, %parallel_loop3A_648, %parallel_loop3A_649, %parallel_loop3A_650] {strides = array<i32>} : memref<2x4x64x128xf32, #tpu.memory_space<vmem>>, vector<16xf32>,
        %parallel_loop3A_652 = arith.mulf %parallel_loop3A_344, %parallel_loop3A_651 : vector<16xf32>
        %parallel_loop3A_653 = arith.addf %parallel_loop3A_644, %parallel_loop3A_652 : vector<16xf32>
        %parallel_loop3A_654 = arith.constant 0 : i32
        %parallel_loop3A_655 = arith.constant 2 : i32
        %parallel_loop3A_656 = arith.index_cast %parallel_loop3A_654 : i32 to index
        %parallel_loop3A_657 = arith.index_cast %parallel_loop3A_655 : i32 to index
        %parallel_loop3A_658 = arith.index_cast %parallel_loop3A_332 : i32 to index
        %parallel_loop3A_659 = arith.constant 112 : index
        %parallel_loop3A_660 = tpu.vector_load %arg8[%parallel_loop3A_656, %parallel_loop3A_657, %parallel_loop3A_658, %parallel_loop3A_659] {strides = array<i32>} : memref<2x4x64x128xf32, #tpu.memory_space<vmem>>, vector<16xf32>,
        %parallel_loop3A_661 = arith.mulf %parallel_loop3A_350, %parallel_loop3A_660 : vector<16xf32>
        %parallel_loop3A_662 = arith.constant 0 : i32
        %parallel_loop3A_663 = arith.constant 3 : i32
        %parallel_loop3A_664 = arith.index_cast %parallel_loop3A_662 : i32 to index
        %parallel_loop3A_665 = arith.index_cast %parallel_loop3A_663 : i32 to index
        %parallel_loop3A_666 = arith.index_cast %parallel_loop3A_332 : i32 to index
        %parallel_loop3A_667 = arith.constant 112 : index
        %parallel_loop3A_668 = tpu.vector_load %arg8[%parallel_loop3A_664, %parallel_loop3A_665, %parallel_loop3A_666, %parallel_loop3A_667] {strides = array<i32>} : memref<2x4x64x128xf32, #tpu.memory_space<vmem>>, vector<16xf32>,
        %parallel_loop3A_669 = arith.mulf %parallel_loop3A_356, %parallel_loop3A_668 : vector<16xf32>
        %parallel_loop3A_670 = arith.addf %parallel_loop3A_661, %parallel_loop3A_669 : vector<16xf32>
        %parallel_loop3A_671 = arith.addf %parallel_loop3A_653, %parallel_loop3A_670 : vector<16xf32>
        %parallel_loop3A_672 = arith.constant 0 : i32
        %parallel_loop3A_673 = arith.index_cast %parallel_loop3A_672 : i32 to index
        %parallel_loop3A_674 = arith.index_cast %parallel_loop3A_332 : i32 to index
        %parallel_loop3A_675 = arith.constant 112 : index
        %parallel_loop3A_676 = tpu.vector_load %arg9[%parallel_loop3A_673, %parallel_loop3A_674, %parallel_loop3A_675] {strides = array<i32>} : memref<2x64x128xf32, #tpu.memory_space<vmem>>, vector<16xf32>,
        tpu.vector_store %arg9[%parallel_loop3A_673, %parallel_loop3A_674, %parallel_loop3A_675], %parallel_loop3A_671 {strides = array<i32>} : memref<2x64x128xf32, #tpu.memory_space<vmem>>, vector<16xf32>,
      } {sc.loop_unroll_factor = 2 : i64, sc.parallel_access}
      %add3A_217 = arith.constant 2 : i32
      %add3A_218 = arith.addi %add3A_154, %add3A_217 : i32
      %lt3A = arith.constant 32 : i32
      %lt3A_219 = arith.cmpi slt, %add3A_218, %lt3A : i32
      %convert_element_type3A_220 = arith.extui %lt3A_219 : i1 to i32
      %cond3A_221 = arith.constant 0 : i32
      %cond3A_222 = arith.cmpi ne, %convert_element_type3A_220, %cond3A_221 : i32
      scf.if %cond3A_222 {
        %add3A_332 = arith.constant 2 : i32
        %add3A_333 = arith.addi %add3A_154, %add3A_332 : i32
        %dma_start3A_334 = arith.constant 0 : i32
        %dma_start3A_335 = arith.constant 0 : i32
        %dma_start3A_336 = arith.constant 0 : i32
        %dma_start3A_337 = arith.constant 0 : i32
        %dma_start3A_338 = arith.constant 0 : i32
        %dma_start3A_339 = tpu.memref_slice %arg8[%dma_start3A_335, %dma_start3A_336, %dma_start3A_337, %dma_start3A_338] : memref<2x4x64x128xf32, #tpu.memory_space<vmem>> -> memref<1x1x64x128xf32, #tpu.memory_space<vmem>>
        %dma_start3A_340 = tpu.memref_squeeze %dma_start3A_339 : memref<1x1x64x128xf32, #tpu.memory_space<vmem>> -> memref<64x128xf32, #tpu.memory_space<vmem>>
        %dma_start3A_341 = arith.constant 0 : i32
        %dma_start3A_342 = tpu.memref_slice %arg6[%add3A_333, %dma_start3A_334, %dma_start3A_341] : memref<32x4x64xi32, #tpu.memory_space<vmem>> -> memref<1x1x64xi32, #tpu.memory_space<vmem>>
        %dma_start3A_343 = tpu.memref_squeeze %dma_start3A_342 : memref<1x1x64xi32, #tpu.memory_space<vmem>> -> memref<64xi32, #tpu.memory_space<vmem>>
        %dma_start3A_344 = arith.constant 0 : i32
        %dma_start3A_345 = arith.constant 0 : i32
        %dma_start3A_346 = tpu.memref_slice %arg2[%dma_start3A_344, %dma_start3A_345] : memref<259200x128xf32, #tpu.memory_space<hbm>> -> memref<259200x128xf32, #tpu.memory_space<hbm>>
        tpu.enqueue_indirect_dma source(%dma_start3A_346 : memref<259200x128xf32, #tpu.memory_space<hbm>>) target(%dma_start3A_340 : memref<64x128xf32, #tpu.memory_space<vmem>>) offsets(%dma_start3A_343 : memref<64xi32, #tpu.memory_space<vmem>>) semaphore(%arg10 : memref<!tpu.dma_semaphore, #tpu.memory_space<semaphore_mem>>)
        %dma_start3A_347 = arith.constant 1 : i32
        %dma_start3A_348 = arith.constant 0 : i32
        %dma_start3A_349 = arith.constant 1 : i32
        %dma_start3A_350 = arith.constant 0 : i32
        %dma_start3A_351 = arith.constant 0 : i32
        %dma_start3A_352 = tpu.memref_slice %arg8[%dma_start3A_348, %dma_start3A_349, %dma_start3A_350, %dma_start3A_351] : memref<2x4x64x128xf32, #tpu.memory_space<vmem>> -> memref<1x1x64x128xf32, #tpu.memory_space<vmem>>
        %dma_start3A_353 = tpu.memref_squeeze %dma_start3A_352 : memref<1x1x64x128xf32, #tpu.memory_space<vmem>> -> memref<64x128xf32, #tpu.memory_space<vmem>>
        %dma_start3A_354 = arith.constant 0 : i32
        %dma_start3A_355 = tpu.memref_slice %arg6[%add3A_333, %dma_start3A_347, %dma_start3A_354] : memref<32x4x64xi32, #tpu.memory_space<vmem>> -> memref<1x1x64xi32, #tpu.memory_space<vmem>>
        %dma_start3A_356 = tpu.memref_squeeze %dma_start3A_355 : memref<1x1x64xi32, #tpu.memory_space<vmem>> -> memref<64xi32, #tpu.memory_space<vmem>>
        %dma_start3A_357 = arith.constant 0 : i32
        %dma_start3A_358 = arith.constant 0 : i32
        %dma_start3A_359 = tpu.memref_slice %arg2[%dma_start3A_357, %dma_start3A_358] : memref<259200x128xf32, #tpu.memory_space<hbm>> -> memref<259200x128xf32, #tpu.memory_space<hbm>>
        tpu.enqueue_indirect_dma source(%dma_start3A_359 : memref<259200x128xf32, #tpu.memory_space<hbm>>) target(%dma_start3A_353 : memref<64x128xf32, #tpu.memory_space<vmem>>) offsets(%dma_start3A_356 : memref<64xi32, #tpu.memory_space<vmem>>) semaphore(%arg10 : memref<!tpu.dma_semaphore, #tpu.memory_space<semaphore_mem>>)
        %dma_start3A_360 = arith.constant 2 : i32
        %dma_start3A_361 = arith.constant 0 : i32
        %dma_start3A_362 = arith.constant 2 : i32
        %dma_start3A_363 = arith.constant 0 : i32
        %dma_start3A_364 = arith.constant 0 : i32
        %dma_start3A_365 = tpu.memref_slice %arg8[%dma_start3A_361, %dma_start3A_362, %dma_start3A_363, %dma_start3A_364] : memref<2x4x64x128xf32, #tpu.memory_space<vmem>> -> memref<1x1x64x128xf32, #tpu.memory_space<vmem>>
        %dma_start3A_366 = tpu.memref_squeeze %dma_start3A_365 : memref<1x1x64x128xf32, #tpu.memory_space<vmem>> -> memref<64x128xf32, #tpu.memory_space<vmem>>
        %dma_start3A_367 = arith.constant 0 : i32
        %dma_start3A_368 = tpu.memref_slice %arg6[%add3A_333, %dma_start3A_360, %dma_start3A_367] : memref<32x4x64xi32, #tpu.memory_space<vmem>> -> memref<1x1x64xi32, #tpu.memory_space<vmem>>
        %dma_start3A_369 = tpu.memref_squeeze %dma_start3A_368 : memref<1x1x64xi32, #tpu.memory_space<vmem>> -> memref<64xi32, #tpu.memory_space<vmem>>
        %dma_start3A_370 = arith.constant 0 : i32
        %dma_start3A_371 = arith.constant 0 : i32
        %dma_start3A_372 = tpu.memref_slice %arg2[%dma_start3A_370, %dma_start3A_371] : memref<259200x128xf32, #tpu.memory_space<hbm>> -> memref<259200x128xf32, #tpu.memory_space<hbm>>
        tpu.enqueue_indirect_dma source(%dma_start3A_372 : memref<259200x128xf32, #tpu.memory_space<hbm>>) target(%dma_start3A_366 : memref<64x128xf32, #tpu.memory_space<vmem>>) offsets(%dma_start3A_369 : memref<64xi32, #tpu.memory_space<vmem>>) semaphore(%arg10 : memref<!tpu.dma_semaphore, #tpu.memory_space<semaphore_mem>>)
        %dma_start3A_373 = arith.constant 3 : i32
        %dma_start3A_374 = arith.constant 0 : i32
        %dma_start3A_375 = arith.constant 3 : i32
        %dma_start3A_376 = arith.constant 0 : i32
        %dma_start3A_377 = arith.constant 0 : i32
        %dma_start3A_378 = tpu.memref_slice %arg8[%dma_start3A_374, %dma_start3A_375, %dma_start3A_376, %dma_start3A_377] : memref<2x4x64x128xf32, #tpu.memory_space<vmem>> -> memref<1x1x64x128xf32, #tpu.memory_space<vmem>>
        %dma_start3A_379 = tpu.memref_squeeze %dma_start3A_378 : memref<1x1x64x128xf32, #tpu.memory_space<vmem>> -> memref<64x128xf32, #tpu.memory_space<vmem>>
        %dma_start3A_380 = arith.constant 0 : i32
        %dma_start3A_381 = tpu.memref_slice %arg6[%add3A_333, %dma_start3A_373, %dma_start3A_380] : memref<32x4x64xi32, #tpu.memory_space<vmem>> -> memref<1x1x64xi32, #tpu.memory_space<vmem>>
        %dma_start3A_382 = tpu.memref_squeeze %dma_start3A_381 : memref<1x1x64xi32, #tpu.memory_space<vmem>> -> memref<64xi32, #tpu.memory_space<vmem>>
        %dma_start3A_383 = arith.constant 0 : i32
        %dma_start3A_384 = arith.constant 0 : i32
        %dma_start3A_385 = tpu.memref_slice %arg2[%dma_start3A_383, %dma_start3A_384] : memref<259200x128xf32, #tpu.memory_space<hbm>> -> memref<259200x128xf32, #tpu.memory_space<hbm>>
        tpu.enqueue_indirect_dma source(%dma_start3A_385 : memref<259200x128xf32, #tpu.memory_space<hbm>>) target(%dma_start3A_379 : memref<64x128xf32, #tpu.memory_space<vmem>>) offsets(%dma_start3A_382 : memref<64xi32, #tpu.memory_space<vmem>>) semaphore(%arg10 : memref<!tpu.dma_semaphore, #tpu.memory_space<semaphore_mem>>)
      } else {
      }
      %add3A_223 = arith.addi %mul3A_2, %add3A_154 : i32
      %mul3A_224 = arith.constant 64 : i32
      %mul3A_225 = arith.muli %add3A_223, %mul3A_224 : i32
      %dma_start3A_226 = arith.constant 0 : i32
      %dma_start3A_227 = arith.constant 0 : i32
      %dma_start3A_228 = arith.constant 0 : i32
      %dma_start3A_229 = tpu.memref_slice %arg9[%dma_start3A_226, %dma_start3A_227, %dma_start3A_228] : memref<2x64x128xf32, #tpu.memory_space<vmem>> -> memref<1x64x128xf32, #tpu.memory_space<vmem>>
      %dma_start3A_230 = tpu.memref_squeeze %dma_start3A_229 : memref<1x64x128xf32, #tpu.memory_space<vmem>> -> memref<64x128xf32, #tpu.memory_space<vmem>>
      %dma_start3A_231 = arith.constant 0 : i32
      %dma_start3A_232 = tpu.memref_slice %arg5[%mul3A_225, %dma_start3A_231] : memref<65536x128xf32, #tpu.memory_space<hbm>> -> memref<64x128xf32, #tpu.memory_space<hbm>>
      %dma_start3A_233 = arith.constant 0 : i32
      %dma_start3A_234 = tpu.memref_slice %arg5[%mul3A_225, %dma_start3A_233] : memref<65536x128xf32, #tpu.memory_space<hbm>> -> memref<64x128xf32, #tpu.memory_space<hbm>>
      %dma_start3A_235 = arith.constant 0 : i32
      %dma_start3A_236 = arith.constant 0 : i32
      %dma_start3A_237 = tpu.memref_slice %arg9[%dma_start3A_226, %dma_start3A_235, %dma_start3A_236] : memref<2x64x128xf32, #tpu.memory_space<vmem>> -> memref<1x64x128xf32, #tpu.memory_space<vmem>>
      %dma_start3A_238 = tpu.memref_squeeze %dma_start3A_237 : memref<1x64x128xf32, #tpu.memory_space<vmem>> -> memref<64x128xf32, #tpu.memory_space<vmem>>
      tpu.enqueue_dma source(%dma_start3A_238 : memref<64x128xf32, #tpu.memory_space<vmem>>) target(%dma_start3A_234 : memref<64x128xf32, #tpu.memory_space<hbm>>) target_semaphore(%arg12 : memref<!tpu.dma_semaphore, #tpu.memory_space<semaphore_mem>>)
      %mul3A_239 = arith.constant 2 : i32
      %mul3A_240 = arith.muli %mul3A_239, %scan3A_150 : i32
      %add3A_241 = arith.constant 1 : i32
      %add3A_242 = arith.addi %mul3A_240, %add3A_241 : i32
      %ge3A_243 = arith.constant 2 : i32
      %ge3A_244 = arith.cmpi sge, %add3A_242, %ge3A_243 : i32
      %convert_element_type3A_245 = arith.extui %ge3A_244 : i1 to i32
      %cond3A_246 = arith.constant 0 : i32
      %cond3A_247 = arith.cmpi ne, %convert_element_type3A_245, %cond3A_246 : i32
      scf.if %cond3A_247 {
        %dma_wait3A_332 = arith.constant 1 : i32
        %dma_wait3A_333 = arith.constant 0 : i32
        %dma_wait3A_334 = arith.constant 0 : i32
        %dma_wait3A_335 = tpu.memref_slice %arg9[%dma_wait3A_332, %dma_wait3A_333, %dma_wait3A_334] : memref<2x64x128xf32, #tpu.memory_space<vmem>> -> memref<1x64x128xf32, #tpu.memory_space<vmem>>
        %dma_wait3A_336 = tpu.memref_squeeze %dma_wait3A_335 : memref<1x64x128xf32, #tpu.memory_space<vmem>> -> memref<64x128xf32, #tpu.memory_space<vmem>>
        %dma_wait3A_337 = arith.constant 0 : i32
        %dma_wait3A_338 = arith.constant 0 : i32
        %dma_wait3A_339 = tpu.memref_slice %arg5[%dma_wait3A_337, %dma_wait3A_338] : memref<65536x128xf32, #tpu.memory_space<hbm>> -> memref<64x128xf32, #tpu.memory_space<hbm>>
        %dma_wait3A_340 = arith.constant 0 : i32
        %dma_wait3A_341 = arith.constant 0 : i32
        %dma_wait3A_342 = tpu.memref_slice %arg5[%dma_wait3A_340, %dma_wait3A_341] : memref<65536x128xf32, #tpu.memory_space<hbm>> -> memref<64x128xf32, #tpu.memory_space<hbm>>
        %dma_wait3A_343 = arith.constant 0 : i32
        %dma_wait3A_344 = arith.constant 0 : i32
        %dma_wait3A_345 = tpu.memref_slice %arg9[%dma_wait3A_332, %dma_wait3A_343, %dma_wait3A_344] : memref<2x64x128xf32, #tpu.memory_space<vmem>> -> memref<1x64x128xf32, #tpu.memory_space<vmem>>
        %dma_wait3A_346 = tpu.memref_squeeze %dma_wait3A_345 : memref<1x64x128xf32, #tpu.memory_space<vmem>> -> memref<64x128xf32, #tpu.memory_space<vmem>>
        tpu.wait_dma2 semaphore(%arg13 : memref<!tpu.dma_semaphore, #tpu.memory_space<semaphore_mem>>) src(%dma_wait3A_346 : memref<64x128xf32, #tpu.memory_space<vmem>>) dst(%dma_wait3A_342 : memref<64x128xf32, #tpu.memory_space<hbm>>)
      } else {
      }
      %dma_wait3A_248 = arith.constant 0 : i32
      %dma_wait3A_249 = arith.constant 0 : i32
      %dma_wait3A_250 = arith.constant 1 : i32
      %dma_wait3A_251 = arith.constant 0 : i32
      %dma_wait3A_252 = arith.constant 0 : i32
      %dma_wait3A_253 = arith.constant 0 : i32
      %dma_wait3A_254 = tpu.memref_slice %arg8[%dma_wait3A_250, %dma_wait3A_251, %dma_wait3A_252, %dma_wait3A_253] : memref<2x4x64x128xf32, #tpu.memory_space<vmem>> -> memref<1x1x64x128xf32, #tpu.memory_space<vmem>>
      %dma_wait3A_255 = tpu.memref_squeeze %dma_wait3A_254 : memref<1x1x64x128xf32, #tpu.memory_space<vmem>> -> memref<64x128xf32, #tpu.memory_space<vmem>>
      %dma_wait3A_256 = arith.constant 0 : i32
      %dma_wait3A_257 = tpu.memref_slice %arg6[%dma_wait3A_248, %dma_wait3A_249, %dma_wait3A_256] : memref<32x4x64xi32, #tpu.memory_space<vmem>> -> memref<1x1x64xi32, #tpu.memory_space<vmem>>
      %dma_wait3A_258 = tpu.memref_squeeze %dma_wait3A_257 : memref<1x1x64xi32, #tpu.memory_space<vmem>> -> memref<64xi32, #tpu.memory_space<vmem>>
      %dma_wait3A_259 = arith.constant 0 : i32
      %dma_wait3A_260 = arith.constant 0 : i32
      %dma_wait3A_261 = tpu.memref_slice %arg2[%dma_wait3A_259, %dma_wait3A_260] : memref<259200x128xf32, #tpu.memory_space<hbm>> -> memref<259200x128xf32, #tpu.memory_space<hbm>>
      tpu.wait_indirect_dma semaphore(%arg11 : memref<!tpu.dma_semaphore, #tpu.memory_space<semaphore_mem>>) src(%dma_wait3A_261 : memref<259200x128xf32, #tpu.memory_space<hbm>>) dst(%dma_wait3A_255 : memref<64x128xf32, #tpu.memory_space<vmem>>)
      %dma_wait3A_262 = arith.constant 0 : i32
      %dma_wait3A_263 = arith.constant 1 : i32
      %dma_wait3A_264 = arith.constant 1 : i32
      %dma_wait3A_265 = arith.constant 1 : i32
      %dma_wait3A_266 = arith.constant 0 : i32
      %dma_wait3A_267 = arith.constant 0 : i32
      %dma_wait3A_268 = tpu.memref_slice %arg8[%dma_wait3A_264, %dma_wait3A_265, %dma_wait3A_266, %dma_wait3A_267] : memref<2x4x64x128xf32, #tpu.memory_space<vmem>> -> memref<1x1x64x128xf32, #tpu.memory_space<vmem>>
      %dma_wait3A_269 = tpu.memref_squeeze %dma_wait3A_268 : memref<1x1x64x128xf32, #tpu.memory_space<vmem>> -> memref<64x128xf32, #tpu.memory_space<vmem>>
      %dma_wait3A_270 = arith.constant 0 : i32
      %dma_wait3A_271 = tpu.memref_slice %arg6[%dma_wait3A_262, %dma_wait3A_263, %dma_wait3A_270] : memref<32x4x64xi32, #tpu.memory_space<vmem>> -> memref<1x1x64xi32, #tpu.memory_space<vmem>>
      %dma_wait3A_272 = tpu.memref_squeeze %dma_wait3A_271 : memref<1x1x64xi32, #tpu.memory_space<vmem>> -> memref<64xi32, #tpu.memory_space<vmem>>
      %dma_wait3A_273 = arith.constant 0 : i32
      %dma_wait3A_274 = arith.constant 0 : i32
      %dma_wait3A_275 = tpu.memref_slice %arg2[%dma_wait3A_273, %dma_wait3A_274] : memref<259200x128xf32, #tpu.memory_space<hbm>> -> memref<259200x128xf32, #tpu.memory_space<hbm>>
      tpu.wait_indirect_dma semaphore(%arg11 : memref<!tpu.dma_semaphore, #tpu.memory_space<semaphore_mem>>) src(%dma_wait3A_275 : memref<259200x128xf32, #tpu.memory_space<hbm>>) dst(%dma_wait3A_269 : memref<64x128xf32, #tpu.memory_space<vmem>>)
      %dma_wait3A_276 = arith.constant 0 : i32
      %dma_wait3A_277 = arith.constant 2 : i32
      %dma_wait3A_278 = arith.constant 1 : i32
      %dma_wait3A_279 = arith.constant 2 : i32
      %dma_wait3A_280 = arith.constant 0 : i32
      %dma_wait3A_281 = arith.constant 0 : i32
      %dma_wait3A_282 = tpu.memref_slice %arg8[%dma_wait3A_278, %dma_wait3A_279, %dma_wait3A_280, %dma_wait3A_281] : memref<2x4x64x128xf32, #tpu.memory_space<vmem>> -> memref<1x1x64x128xf32, #tpu.memory_space<vmem>>
      %dma_wait3A_283 = tpu.memref_squeeze %dma_wait3A_282 : memref<1x1x64x128xf32, #tpu.memory_space<vmem>> -> memref<64x128xf32, #tpu.memory_space<vmem>>
      %dma_wait3A_284 = arith.constant 0 : i32
      %dma_wait3A_285 = tpu.memref_slice %arg6[%dma_wait3A_276, %dma_wait3A_277, %dma_wait3A_284] : memref<32x4x64xi32, #tpu.memory_space<vmem>> -> memref<1x1x64xi32, #tpu.memory_space<vmem>>
      %dma_wait3A_286 = tpu.memref_squeeze %dma_wait3A_285 : memref<1x1x64xi32, #tpu.memory_space<vmem>> -> memref<64xi32, #tpu.memory_space<vmem>>
      %dma_wait3A_287 = arith.constant 0 : i32
      %dma_wait3A_288 = arith.constant 0 : i32
      %dma_wait3A_289 = tpu.memref_slice %arg2[%dma_wait3A_287, %dma_wait3A_288] : memref<259200x128xf32, #tpu.memory_space<hbm>> -> memref<259200x128xf32, #tpu.memory_space<hbm>>
      tpu.wait_indirect_dma semaphore(%arg11 : memref<!tpu.dma_semaphore, #tpu.memory_space<semaphore_mem>>) src(%dma_wait3A_289 : memref<259200x128xf32, #tpu.memory_space<hbm>>) dst(%dma_wait3A_283 : memref<64x128xf32, #tpu.memory_space<vmem>>)
      %dma_wait3A_290 = arith.constant 0 : i32
      %dma_wait3A_291 = arith.constant 3 : i32
      %dma_wait3A_292 = arith.constant 1 : i32
      %dma_wait3A_293 = arith.constant 3 : i32
      %dma_wait3A_294 = arith.constant 0 : i32
      %dma_wait3A_295 = arith.constant 0 : i32
      %dma_wait3A_296 = tpu.memref_slice %arg8[%dma_wait3A_292, %dma_wait3A_293, %dma_wait3A_294, %dma_wait3A_295] : memref<2x4x64x128xf32, #tpu.memory_space<vmem>> -> memref<1x1x64x128xf32, #tpu.memory_space<vmem>>
      %dma_wait3A_297 = tpu.memref_squeeze %dma_wait3A_296 : memref<1x1x64x128xf32, #tpu.memory_space<vmem>> -> memref<64x128xf32, #tpu.memory_space<vmem>>
      %dma_wait3A_298 = arith.constant 0 : i32
      %dma_wait3A_299 = tpu.memref_slice %arg6[%dma_wait3A_290, %dma_wait3A_291, %dma_wait3A_298] : memref<32x4x64xi32, #tpu.memory_space<vmem>> -> memref<1x1x64xi32, #tpu.memory_space<vmem>>
      %dma_wait3A_300 = tpu.memref_squeeze %dma_wait3A_299 : memref<1x1x64xi32, #tpu.memory_space<vmem>> -> memref<64xi32, #tpu.memory_space<vmem>>
      %dma_wait3A_301 = arith.constant 0 : i32
      %dma_wait3A_302 = arith.constant 0 : i32
      %dma_wait3A_303 = tpu.memref_slice %arg2[%dma_wait3A_301, %dma_wait3A_302] : memref<259200x128xf32, #tpu.memory_space<hbm>> -> memref<259200x128xf32, #tpu.memory_space<hbm>>
      tpu.wait_indirect_dma semaphore(%arg11 : memref<!tpu.dma_semaphore, #tpu.memory_space<semaphore_mem>>) src(%dma_wait3A_303 : memref<259200x128xf32, #tpu.memory_space<hbm>>) dst(%dma_wait3A_297 : memref<64x128xf32, #tpu.memory_space<vmem>>)
      %mul3A_304 = arith.constant 256 : i32
      %mul3A_305 = arith.muli %add3A_242, %mul3A_304 : i32
      %parallel_loop3A_306 = arith.constant 0 : i32
      %parallel_loop3A_307 = arith.constant 64 : i32
      %parallel_loop3A_308 = arith.constant 1 : i32
      scf.for %parallel_loop3A_332 = %parallel_loop3A_306 to %parallel_loop3A_307 step %parallel_loop3A_308  : i32 {
        %parallel_loop3A_333 = arith.constant 0 : i32
        %parallel_loop3A_334 = vector.broadcast %parallel_loop3A_333 : i32 to vector<16xi32>
        %parallel_loop3A_335 = arith.addi %mul3A_305, %parallel_loop3A_332 : i32
        %parallel_loop3A_336 = vector.broadcast %parallel_loop3A_335 : i32 to vector<16xi32>
        %parallel_loop3A_337 = arith.addi %parallel_loop3A_334, %parallel_loop3A_336 : vector<16xi32>
        %parallel_loop3A_338 = tpu.vector_load_idx %arg7[%parallel_loop3A_337] : memref<8192xf32, #tpu.memory_space<vmem>>[vector<16xi32>], vector<16xf32>,
        %parallel_loop3A_339 = arith.constant 64 : i32
        %parallel_loop3A_340 = vector.broadcast %parallel_loop3A_339 : i32 to vector<16xi32>
        %parallel_loop3A_341 = arith.addi %mul3A_305, %parallel_loop3A_332 : i32
        %parallel_loop3A_342 = vector.broadcast %parallel_loop3A_341 : i32 to vector<16xi32>
        %parallel_loop3A_343 = arith.addi %parallel_loop3A_340, %parallel_loop3A_342 : vector<16xi32>
        %parallel_loop3A_344 = tpu.vector_load_idx %arg7[%parallel_loop3A_343] : memref<8192xf32, #tpu.memory_space<vmem>>[vector<16xi32>], vector<16xf32>,
        %parallel_loop3A_345 = arith.constant 128 : i32
        %parallel_loop3A_346 = vector.broadcast %parallel_loop3A_345 : i32 to vector<16xi32>
        %parallel_loop3A_347 = arith.addi %mul3A_305, %parallel_loop3A_332 : i32
        %parallel_loop3A_348 = vector.broadcast %parallel_loop3A_347 : i32 to vector<16xi32>
        %parallel_loop3A_349 = arith.addi %parallel_loop3A_346, %parallel_loop3A_348 : vector<16xi32>
        %parallel_loop3A_350 = tpu.vector_load_idx %arg7[%parallel_loop3A_349] : memref<8192xf32, #tpu.memory_space<vmem>>[vector<16xi32>], vector<16xf32>,
        %parallel_loop3A_351 = arith.constant 192 : i32
        %parallel_loop3A_352 = vector.broadcast %parallel_loop3A_351 : i32 to vector<16xi32>
        %parallel_loop3A_353 = arith.addi %mul3A_305, %parallel_loop3A_332 : i32
        %parallel_loop3A_354 = vector.broadcast %parallel_loop3A_353 : i32 to vector<16xi32>
        %parallel_loop3A_355 = arith.addi %parallel_loop3A_352, %parallel_loop3A_354 : vector<16xi32>
        %parallel_loop3A_356 = tpu.vector_load_idx %arg7[%parallel_loop3A_355] : memref<8192xf32, #tpu.memory_space<vmem>>[vector<16xi32>], vector<16xf32>,
        %parallel_loop3A_357 = arith.constant 1 : i32
        %parallel_loop3A_358 = arith.constant 0 : i32
        %parallel_loop3A_359 = arith.index_cast %parallel_loop3A_357 : i32 to index
        %parallel_loop3A_360 = arith.index_cast %parallel_loop3A_358 : i32 to index
        %parallel_loop3A_361 = arith.index_cast %parallel_loop3A_332 : i32 to index
        %parallel_loop3A_362 = arith.constant 0 : index
        %parallel_loop3A_363 = tpu.vector_load %arg8[%parallel_loop3A_359, %parallel_loop3A_360, %parallel_loop3A_361, %parallel_loop3A_362] {strides = array<i32>} : memref<2x4x64x128xf32, #tpu.memory_space<vmem>>, vector<16xf32>,
        %parallel_loop3A_364 = arith.mulf %parallel_loop3A_338, %parallel_loop3A_363 : vector<16xf32>
        %parallel_loop3A_365 = arith.constant 1 : i32
        %parallel_loop3A_366 = arith.constant 1 : i32
        %parallel_loop3A_367 = arith.index_cast %parallel_loop3A_365 : i32 to index
        %parallel_loop3A_368 = arith.index_cast %parallel_loop3A_366 : i32 to index
        %parallel_loop3A_369 = arith.index_cast %parallel_loop3A_332 : i32 to index
        %parallel_loop3A_370 = arith.constant 0 : index
        %parallel_loop3A_371 = tpu.vector_load %arg8[%parallel_loop3A_367, %parallel_loop3A_368, %parallel_loop3A_369, %parallel_loop3A_370] {strides = array<i32>} : memref<2x4x64x128xf32, #tpu.memory_space<vmem>>, vector<16xf32>,
        %parallel_loop3A_372 = arith.mulf %parallel_loop3A_344, %parallel_loop3A_371 : vector<16xf32>
        %parallel_loop3A_373 = arith.addf %parallel_loop3A_364, %parallel_loop3A_372 : vector<16xf32>
        %parallel_loop3A_374 = arith.constant 1 : i32
        %parallel_loop3A_375 = arith.constant 2 : i32
        %parallel_loop3A_376 = arith.index_cast %parallel_loop3A_374 : i32 to index
        %parallel_loop3A_377 = arith.index_cast %parallel_loop3A_375 : i32 to index
        %parallel_loop3A_378 = arith.index_cast %parallel_loop3A_332 : i32 to index
        %parallel_loop3A_379 = arith.constant 0 : index
        %parallel_loop3A_380 = tpu.vector_load %arg8[%parallel_loop3A_376, %parallel_loop3A_377, %parallel_loop3A_378, %parallel_loop3A_379] {strides = array<i32>} : memref<2x4x64x128xf32, #tpu.memory_space<vmem>>, vector<16xf32>,
        %parallel_loop3A_381 = arith.mulf %parallel_loop3A_350, %parallel_loop3A_380 : vector<16xf32>
        %parallel_loop3A_382 = arith.constant 1 : i32
        %parallel_loop3A_383 = arith.constant 3 : i32
        %parallel_loop3A_384 = arith.index_cast %parallel_loop3A_382 : i32 to index
        %parallel_loop3A_385 = arith.index_cast %parallel_loop3A_383 : i32 to index
        %parallel_loop3A_386 = arith.index_cast %parallel_loop3A_332 : i32 to index
        %parallel_loop3A_387 = arith.constant 0 : index
        %parallel_loop3A_388 = tpu.vector_load %arg8[%parallel_loop3A_384, %parallel_loop3A_385, %parallel_loop3A_386, %parallel_loop3A_387] {strides = array<i32>} : memref<2x4x64x128xf32, #tpu.memory_space<vmem>>, vector<16xf32>,
        %parallel_loop3A_389 = arith.mulf %parallel_loop3A_356, %parallel_loop3A_388 : vector<16xf32>
        %parallel_loop3A_390 = arith.addf %parallel_loop3A_381, %parallel_loop3A_389 : vector<16xf32>
        %parallel_loop3A_391 = arith.addf %parallel_loop3A_373, %parallel_loop3A_390 : vector<16xf32>
        %parallel_loop3A_392 = arith.constant 1 : i32
        %parallel_loop3A_393 = arith.index_cast %parallel_loop3A_392 : i32 to index
        %parallel_loop3A_394 = arith.index_cast %parallel_loop3A_332 : i32 to index
        %parallel_loop3A_395 = arith.constant 0 : index
        %parallel_loop3A_396 = tpu.vector_load %arg9[%parallel_loop3A_393, %parallel_loop3A_394, %parallel_loop3A_395] {strides = array<i32>} : memref<2x64x128xf32, #tpu.memory_space<vmem>>, vector<16xf32>,
        tpu.vector_store %arg9[%parallel_loop3A_393, %parallel_loop3A_394, %parallel_loop3A_395], %parallel_loop3A_391 {strides = array<i32>} : memref<2x64x128xf32, #tpu.memory_space<vmem>>, vector<16xf32>,
        %parallel_loop3A_397 = arith.constant 1 : i32
        %parallel_loop3A_398 = arith.constant 0 : i32
        %parallel_loop3A_399 = arith.index_cast %parallel_loop3A_397 : i32 to index
        %parallel_loop3A_400 = arith.index_cast %parallel_loop3A_398 : i32 to index
        %parallel_loop3A_401 = arith.index_cast %parallel_loop3A_332 : i32 to index
        %parallel_loop3A_402 = arith.constant 16 : index
        %parallel_loop3A_403 = tpu.vector_load %arg8[%parallel_loop3A_399, %parallel_loop3A_400, %parallel_loop3A_401, %parallel_loop3A_402] {strides = array<i32>} : memref<2x4x64x128xf32, #tpu.memory_space<vmem>>, vector<16xf32>,
        %parallel_loop3A_404 = arith.mulf %parallel_loop3A_338, %parallel_loop3A_403 : vector<16xf32>
        %parallel_loop3A_405 = arith.constant 1 : i32
        %parallel_loop3A_406 = arith.constant 1 : i32
        %parallel_loop3A_407 = arith.index_cast %parallel_loop3A_405 : i32 to index
        %parallel_loop3A_408 = arith.index_cast %parallel_loop3A_406 : i32 to index
        %parallel_loop3A_409 = arith.index_cast %parallel_loop3A_332 : i32 to index
        %parallel_loop3A_410 = arith.constant 16 : index
        %parallel_loop3A_411 = tpu.vector_load %arg8[%parallel_loop3A_407, %parallel_loop3A_408, %parallel_loop3A_409, %parallel_loop3A_410] {strides = array<i32>} : memref<2x4x64x128xf32, #tpu.memory_space<vmem>>, vector<16xf32>,
        %parallel_loop3A_412 = arith.mulf %parallel_loop3A_344, %parallel_loop3A_411 : vector<16xf32>
        %parallel_loop3A_413 = arith.addf %parallel_loop3A_404, %parallel_loop3A_412 : vector<16xf32>
        %parallel_loop3A_414 = arith.constant 1 : i32
        %parallel_loop3A_415 = arith.constant 2 : i32
        %parallel_loop3A_416 = arith.index_cast %parallel_loop3A_414 : i32 to index
        %parallel_loop3A_417 = arith.index_cast %parallel_loop3A_415 : i32 to index
        %parallel_loop3A_418 = arith.index_cast %parallel_loop3A_332 : i32 to index
        %parallel_loop3A_419 = arith.constant 16 : index
        %parallel_loop3A_420 = tpu.vector_load %arg8[%parallel_loop3A_416, %parallel_loop3A_417, %parallel_loop3A_418, %parallel_loop3A_419] {strides = array<i32>} : memref<2x4x64x128xf32, #tpu.memory_space<vmem>>, vector<16xf32>,
        %parallel_loop3A_421 = arith.mulf %parallel_loop3A_350, %parallel_loop3A_420 : vector<16xf32>
        %parallel_loop3A_422 = arith.constant 1 : i32
        %parallel_loop3A_423 = arith.constant 3 : i32
        %parallel_loop3A_424 = arith.index_cast %parallel_loop3A_422 : i32 to index
        %parallel_loop3A_425 = arith.index_cast %parallel_loop3A_423 : i32 to index
        %parallel_loop3A_426 = arith.index_cast %parallel_loop3A_332 : i32 to index
        %parallel_loop3A_427 = arith.constant 16 : index
        %parallel_loop3A_428 = tpu.vector_load %arg8[%parallel_loop3A_424, %parallel_loop3A_425, %parallel_loop3A_426, %parallel_loop3A_427] {strides = array<i32>} : memref<2x4x64x128xf32, #tpu.memory_space<vmem>>, vector<16xf32>,
        %parallel_loop3A_429 = arith.mulf %parallel_loop3A_356, %parallel_loop3A_428 : vector<16xf32>
        %parallel_loop3A_430 = arith.addf %parallel_loop3A_421, %parallel_loop3A_429 : vector<16xf32>
        %parallel_loop3A_431 = arith.addf %parallel_loop3A_413, %parallel_loop3A_430 : vector<16xf32>
        %parallel_loop3A_432 = arith.constant 1 : i32
        %parallel_loop3A_433 = arith.index_cast %parallel_loop3A_432 : i32 to index
        %parallel_loop3A_434 = arith.index_cast %parallel_loop3A_332 : i32 to index
        %parallel_loop3A_435 = arith.constant 16 : index
        %parallel_loop3A_436 = tpu.vector_load %arg9[%parallel_loop3A_433, %parallel_loop3A_434, %parallel_loop3A_435] {strides = array<i32>} : memref<2x64x128xf32, #tpu.memory_space<vmem>>, vector<16xf32>,
        tpu.vector_store %arg9[%parallel_loop3A_433, %parallel_loop3A_434, %parallel_loop3A_435], %parallel_loop3A_431 {strides = array<i32>} : memref<2x64x128xf32, #tpu.memory_space<vmem>>, vector<16xf32>,
        %parallel_loop3A_437 = arith.constant 1 : i32
        %parallel_loop3A_438 = arith.constant 0 : i32
        %parallel_loop3A_439 = arith.index_cast %parallel_loop3A_437 : i32 to index
        %parallel_loop3A_440 = arith.index_cast %parallel_loop3A_438 : i32 to index
        %parallel_loop3A_441 = arith.index_cast %parallel_loop3A_332 : i32 to index
        %parallel_loop3A_442 = arith.constant 32 : index
        %parallel_loop3A_443 = tpu.vector_load %arg8[%parallel_loop3A_439, %parallel_loop3A_440, %parallel_loop3A_441, %parallel_loop3A_442] {strides = array<i32>} : memref<2x4x64x128xf32, #tpu.memory_space<vmem>>, vector<16xf32>,
        %parallel_loop3A_444 = arith.mulf %parallel_loop3A_338, %parallel_loop3A_443 : vector<16xf32>
        %parallel_loop3A_445 = arith.constant 1 : i32
        %parallel_loop3A_446 = arith.constant 1 : i32
        %parallel_loop3A_447 = arith.index_cast %parallel_loop3A_445 : i32 to index
        %parallel_loop3A_448 = arith.index_cast %parallel_loop3A_446 : i32 to index
        %parallel_loop3A_449 = arith.index_cast %parallel_loop3A_332 : i32 to index
        %parallel_loop3A_450 = arith.constant 32 : index
        %parallel_loop3A_451 = tpu.vector_load %arg8[%parallel_loop3A_447, %parallel_loop3A_448, %parallel_loop3A_449, %parallel_loop3A_450] {strides = array<i32>} : memref<2x4x64x128xf32, #tpu.memory_space<vmem>>, vector<16xf32>,
        %parallel_loop3A_452 = arith.mulf %parallel_loop3A_344, %parallel_loop3A_451 : vector<16xf32>
        %parallel_loop3A_453 = arith.addf %parallel_loop3A_444, %parallel_loop3A_452 : vector<16xf32>
        %parallel_loop3A_454 = arith.constant 1 : i32
        %parallel_loop3A_455 = arith.constant 2 : i32
        %parallel_loop3A_456 = arith.index_cast %parallel_loop3A_454 : i32 to index
        %parallel_loop3A_457 = arith.index_cast %parallel_loop3A_455 : i32 to index
        %parallel_loop3A_458 = arith.index_cast %parallel_loop3A_332 : i32 to index
        %parallel_loop3A_459 = arith.constant 32 : index
        %parallel_loop3A_460 = tpu.vector_load %arg8[%parallel_loop3A_456, %parallel_loop3A_457, %parallel_loop3A_458, %parallel_loop3A_459] {strides = array<i32>} : memref<2x4x64x128xf32, #tpu.memory_space<vmem>>, vector<16xf32>,
        %parallel_loop3A_461 = arith.mulf %parallel_loop3A_350, %parallel_loop3A_460 : vector<16xf32>
        %parallel_loop3A_462 = arith.constant 1 : i32
        %parallel_loop3A_463 = arith.constant 3 : i32
        %parallel_loop3A_464 = arith.index_cast %parallel_loop3A_462 : i32 to index
        %parallel_loop3A_465 = arith.index_cast %parallel_loop3A_463 : i32 to index
        %parallel_loop3A_466 = arith.index_cast %parallel_loop3A_332 : i32 to index
        %parallel_loop3A_467 = arith.constant 32 : index
        %parallel_loop3A_468 = tpu.vector_load %arg8[%parallel_loop3A_464, %parallel_loop3A_465, %parallel_loop3A_466, %parallel_loop3A_467] {strides = array<i32>} : memref<2x4x64x128xf32, #tpu.memory_space<vmem>>, vector<16xf32>,
        %parallel_loop3A_469 = arith.mulf %parallel_loop3A_356, %parallel_loop3A_468 : vector<16xf32>
        %parallel_loop3A_470 = arith.addf %parallel_loop3A_461, %parallel_loop3A_469 : vector<16xf32>
        %parallel_loop3A_471 = arith.addf %parallel_loop3A_453, %parallel_loop3A_470 : vector<16xf32>
        %parallel_loop3A_472 = arith.constant 1 : i32
        %parallel_loop3A_473 = arith.index_cast %parallel_loop3A_472 : i32 to index
        %parallel_loop3A_474 = arith.index_cast %parallel_loop3A_332 : i32 to index
        %parallel_loop3A_475 = arith.constant 32 : index
        %parallel_loop3A_476 = tpu.vector_load %arg9[%parallel_loop3A_473, %parallel_loop3A_474, %parallel_loop3A_475] {strides = array<i32>} : memref<2x64x128xf32, #tpu.memory_space<vmem>>, vector<16xf32>,
        tpu.vector_store %arg9[%parallel_loop3A_473, %parallel_loop3A_474, %parallel_loop3A_475], %parallel_loop3A_471 {strides = array<i32>} : memref<2x64x128xf32, #tpu.memory_space<vmem>>, vector<16xf32>,
        %parallel_loop3A_477 = arith.constant 1 : i32
        %parallel_loop3A_478 = arith.constant 0 : i32
        %parallel_loop3A_479 = arith.index_cast %parallel_loop3A_477 : i32 to index
        %parallel_loop3A_480 = arith.index_cast %parallel_loop3A_478 : i32 to index
        %parallel_loop3A_481 = arith.index_cast %parallel_loop3A_332 : i32 to index
        %parallel_loop3A_482 = arith.constant 48 : index
        %parallel_loop3A_483 = tpu.vector_load %arg8[%parallel_loop3A_479, %parallel_loop3A_480, %parallel_loop3A_481, %parallel_loop3A_482] {strides = array<i32>} : memref<2x4x64x128xf32, #tpu.memory_space<vmem>>, vector<16xf32>,
        %parallel_loop3A_484 = arith.mulf %parallel_loop3A_338, %parallel_loop3A_483 : vector<16xf32>
        %parallel_loop3A_485 = arith.constant 1 : i32
        %parallel_loop3A_486 = arith.constant 1 : i32
        %parallel_loop3A_487 = arith.index_cast %parallel_loop3A_485 : i32 to index
        %parallel_loop3A_488 = arith.index_cast %parallel_loop3A_486 : i32 to index
        %parallel_loop3A_489 = arith.index_cast %parallel_loop3A_332 : i32 to index
        %parallel_loop3A_490 = arith.constant 48 : index
        %parallel_loop3A_491 = tpu.vector_load %arg8[%parallel_loop3A_487, %parallel_loop3A_488, %parallel_loop3A_489, %parallel_loop3A_490] {strides = array<i32>} : memref<2x4x64x128xf32, #tpu.memory_space<vmem>>, vector<16xf32>,
        %parallel_loop3A_492 = arith.mulf %parallel_loop3A_344, %parallel_loop3A_491 : vector<16xf32>
        %parallel_loop3A_493 = arith.addf %parallel_loop3A_484, %parallel_loop3A_492 : vector<16xf32>
        %parallel_loop3A_494 = arith.constant 1 : i32
        %parallel_loop3A_495 = arith.constant 2 : i32
        %parallel_loop3A_496 = arith.index_cast %parallel_loop3A_494 : i32 to index
        %parallel_loop3A_497 = arith.index_cast %parallel_loop3A_495 : i32 to index
        %parallel_loop3A_498 = arith.index_cast %parallel_loop3A_332 : i32 to index
        %parallel_loop3A_499 = arith.constant 48 : index
        %parallel_loop3A_500 = tpu.vector_load %arg8[%parallel_loop3A_496, %parallel_loop3A_497, %parallel_loop3A_498, %parallel_loop3A_499] {strides = array<i32>} : memref<2x4x64x128xf32, #tpu.memory_space<vmem>>, vector<16xf32>,
        %parallel_loop3A_501 = arith.mulf %parallel_loop3A_350, %parallel_loop3A_500 : vector<16xf32>
        %parallel_loop3A_502 = arith.constant 1 : i32
        %parallel_loop3A_503 = arith.constant 3 : i32
        %parallel_loop3A_504 = arith.index_cast %parallel_loop3A_502 : i32 to index
        %parallel_loop3A_505 = arith.index_cast %parallel_loop3A_503 : i32 to index
        %parallel_loop3A_506 = arith.index_cast %parallel_loop3A_332 : i32 to index
        %parallel_loop3A_507 = arith.constant 48 : index
        %parallel_loop3A_508 = tpu.vector_load %arg8[%parallel_loop3A_504, %parallel_loop3A_505, %parallel_loop3A_506, %parallel_loop3A_507] {strides = array<i32>} : memref<2x4x64x128xf32, #tpu.memory_space<vmem>>, vector<16xf32>,
        %parallel_loop3A_509 = arith.mulf %parallel_loop3A_356, %parallel_loop3A_508 : vector<16xf32>
        %parallel_loop3A_510 = arith.addf %parallel_loop3A_501, %parallel_loop3A_509 : vector<16xf32>
        %parallel_loop3A_511 = arith.addf %parallel_loop3A_493, %parallel_loop3A_510 : vector<16xf32>
        %parallel_loop3A_512 = arith.constant 1 : i32
        %parallel_loop3A_513 = arith.index_cast %parallel_loop3A_512 : i32 to index
        %parallel_loop3A_514 = arith.index_cast %parallel_loop3A_332 : i32 to index
        %parallel_loop3A_515 = arith.constant 48 : index
        %parallel_loop3A_516 = tpu.vector_load %arg9[%parallel_loop3A_513, %parallel_loop3A_514, %parallel_loop3A_515] {strides = array<i32>} : memref<2x64x128xf32, #tpu.memory_space<vmem>>, vector<16xf32>,
        tpu.vector_store %arg9[%parallel_loop3A_513, %parallel_loop3A_514, %parallel_loop3A_515], %parallel_loop3A_511 {strides = array<i32>} : memref<2x64x128xf32, #tpu.memory_space<vmem>>, vector<16xf32>,
        %parallel_loop3A_517 = arith.constant 1 : i32
        %parallel_loop3A_518 = arith.constant 0 : i32
        %parallel_loop3A_519 = arith.index_cast %parallel_loop3A_517 : i32 to index
        %parallel_loop3A_520 = arith.index_cast %parallel_loop3A_518 : i32 to index
        %parallel_loop3A_521 = arith.index_cast %parallel_loop3A_332 : i32 to index
        %parallel_loop3A_522 = arith.constant 64 : index
        %parallel_loop3A_523 = tpu.vector_load %arg8[%parallel_loop3A_519, %parallel_loop3A_520, %parallel_loop3A_521, %parallel_loop3A_522] {strides = array<i32>} : memref<2x4x64x128xf32, #tpu.memory_space<vmem>>, vector<16xf32>,
        %parallel_loop3A_524 = arith.mulf %parallel_loop3A_338, %parallel_loop3A_523 : vector<16xf32>
        %parallel_loop3A_525 = arith.constant 1 : i32
        %parallel_loop3A_526 = arith.constant 1 : i32
        %parallel_loop3A_527 = arith.index_cast %parallel_loop3A_525 : i32 to index
        %parallel_loop3A_528 = arith.index_cast %parallel_loop3A_526 : i32 to index
        %parallel_loop3A_529 = arith.index_cast %parallel_loop3A_332 : i32 to index
        %parallel_loop3A_530 = arith.constant 64 : index
        %parallel_loop3A_531 = tpu.vector_load %arg8[%parallel_loop3A_527, %parallel_loop3A_528, %parallel_loop3A_529, %parallel_loop3A_530] {strides = array<i32>} : memref<2x4x64x128xf32, #tpu.memory_space<vmem>>, vector<16xf32>,
        %parallel_loop3A_532 = arith.mulf %parallel_loop3A_344, %parallel_loop3A_531 : vector<16xf32>
        %parallel_loop3A_533 = arith.addf %parallel_loop3A_524, %parallel_loop3A_532 : vector<16xf32>
        %parallel_loop3A_534 = arith.constant 1 : i32
        %parallel_loop3A_535 = arith.constant 2 : i32
        %parallel_loop3A_536 = arith.index_cast %parallel_loop3A_534 : i32 to index
        %parallel_loop3A_537 = arith.index_cast %parallel_loop3A_535 : i32 to index
        %parallel_loop3A_538 = arith.index_cast %parallel_loop3A_332 : i32 to index
        %parallel_loop3A_539 = arith.constant 64 : index
        %parallel_loop3A_540 = tpu.vector_load %arg8[%parallel_loop3A_536, %parallel_loop3A_537, %parallel_loop3A_538, %parallel_loop3A_539] {strides = array<i32>} : memref<2x4x64x128xf32, #tpu.memory_space<vmem>>, vector<16xf32>,
        %parallel_loop3A_541 = arith.mulf %parallel_loop3A_350, %parallel_loop3A_540 : vector<16xf32>
        %parallel_loop3A_542 = arith.constant 1 : i32
        %parallel_loop3A_543 = arith.constant 3 : i32
        %parallel_loop3A_544 = arith.index_cast %parallel_loop3A_542 : i32 to index
        %parallel_loop3A_545 = arith.index_cast %parallel_loop3A_543 : i32 to index
        %parallel_loop3A_546 = arith.index_cast %parallel_loop3A_332 : i32 to index
        %parallel_loop3A_547 = arith.constant 64 : index
        %parallel_loop3A_548 = tpu.vector_load %arg8[%parallel_loop3A_544, %parallel_loop3A_545, %parallel_loop3A_546, %parallel_loop3A_547] {strides = array<i32>} : memref<2x4x64x128xf32, #tpu.memory_space<vmem>>, vector<16xf32>,
        %parallel_loop3A_549 = arith.mulf %parallel_loop3A_356, %parallel_loop3A_548 : vector<16xf32>
        %parallel_loop3A_550 = arith.addf %parallel_loop3A_541, %parallel_loop3A_549 : vector<16xf32>
        %parallel_loop3A_551 = arith.addf %parallel_loop3A_533, %parallel_loop3A_550 : vector<16xf32>
        %parallel_loop3A_552 = arith.constant 1 : i32
        %parallel_loop3A_553 = arith.index_cast %parallel_loop3A_552 : i32 to index
        %parallel_loop3A_554 = arith.index_cast %parallel_loop3A_332 : i32 to index
        %parallel_loop3A_555 = arith.constant 64 : index
        %parallel_loop3A_556 = tpu.vector_load %arg9[%parallel_loop3A_553, %parallel_loop3A_554, %parallel_loop3A_555] {strides = array<i32>} : memref<2x64x128xf32, #tpu.memory_space<vmem>>, vector<16xf32>,
        tpu.vector_store %arg9[%parallel_loop3A_553, %parallel_loop3A_554, %parallel_loop3A_555], %parallel_loop3A_551 {strides = array<i32>} : memref<2x64x128xf32, #tpu.memory_space<vmem>>, vector<16xf32>,
        %parallel_loop3A_557 = arith.constant 1 : i32
        %parallel_loop3A_558 = arith.constant 0 : i32
        %parallel_loop3A_559 = arith.index_cast %parallel_loop3A_557 : i32 to index
        %parallel_loop3A_560 = arith.index_cast %parallel_loop3A_558 : i32 to index
        %parallel_loop3A_561 = arith.index_cast %parallel_loop3A_332 : i32 to index
        %parallel_loop3A_562 = arith.constant 80 : index
        %parallel_loop3A_563 = tpu.vector_load %arg8[%parallel_loop3A_559, %parallel_loop3A_560, %parallel_loop3A_561, %parallel_loop3A_562] {strides = array<i32>} : memref<2x4x64x128xf32, #tpu.memory_space<vmem>>, vector<16xf32>,
        %parallel_loop3A_564 = arith.mulf %parallel_loop3A_338, %parallel_loop3A_563 : vector<16xf32>
        %parallel_loop3A_565 = arith.constant 1 : i32
        %parallel_loop3A_566 = arith.constant 1 : i32
        %parallel_loop3A_567 = arith.index_cast %parallel_loop3A_565 : i32 to index
        %parallel_loop3A_568 = arith.index_cast %parallel_loop3A_566 : i32 to index
        %parallel_loop3A_569 = arith.index_cast %parallel_loop3A_332 : i32 to index
        %parallel_loop3A_570 = arith.constant 80 : index
        %parallel_loop3A_571 = tpu.vector_load %arg8[%parallel_loop3A_567, %parallel_loop3A_568, %parallel_loop3A_569, %parallel_loop3A_570] {strides = array<i32>} : memref<2x4x64x128xf32, #tpu.memory_space<vmem>>, vector<16xf32>,
        %parallel_loop3A_572 = arith.mulf %parallel_loop3A_344, %parallel_loop3A_571 : vector<16xf32>
        %parallel_loop3A_573 = arith.addf %parallel_loop3A_564, %parallel_loop3A_572 : vector<16xf32>
        %parallel_loop3A_574 = arith.constant 1 : i32
        %parallel_loop3A_575 = arith.constant 2 : i32
        %parallel_loop3A_576 = arith.index_cast %parallel_loop3A_574 : i32 to index
        %parallel_loop3A_577 = arith.index_cast %parallel_loop3A_575 : i32 to index
        %parallel_loop3A_578 = arith.index_cast %parallel_loop3A_332 : i32 to index
        %parallel_loop3A_579 = arith.constant 80 : index
        %parallel_loop3A_580 = tpu.vector_load %arg8[%parallel_loop3A_576, %parallel_loop3A_577, %parallel_loop3A_578, %parallel_loop3A_579] {strides = array<i32>} : memref<2x4x64x128xf32, #tpu.memory_space<vmem>>, vector<16xf32>,
        %parallel_loop3A_581 = arith.mulf %parallel_loop3A_350, %parallel_loop3A_580 : vector<16xf32>
        %parallel_loop3A_582 = arith.constant 1 : i32
        %parallel_loop3A_583 = arith.constant 3 : i32
        %parallel_loop3A_584 = arith.index_cast %parallel_loop3A_582 : i32 to index
        %parallel_loop3A_585 = arith.index_cast %parallel_loop3A_583 : i32 to index
        %parallel_loop3A_586 = arith.index_cast %parallel_loop3A_332 : i32 to index
        %parallel_loop3A_587 = arith.constant 80 : index
        %parallel_loop3A_588 = tpu.vector_load %arg8[%parallel_loop3A_584, %parallel_loop3A_585, %parallel_loop3A_586, %parallel_loop3A_587] {strides = array<i32>} : memref<2x4x64x128xf32, #tpu.memory_space<vmem>>, vector<16xf32>,
        %parallel_loop3A_589 = arith.mulf %parallel_loop3A_356, %parallel_loop3A_588 : vector<16xf32>
        %parallel_loop3A_590 = arith.addf %parallel_loop3A_581, %parallel_loop3A_589 : vector<16xf32>
        %parallel_loop3A_591 = arith.addf %parallel_loop3A_573, %parallel_loop3A_590 : vector<16xf32>
        %parallel_loop3A_592 = arith.constant 1 : i32
        %parallel_loop3A_593 = arith.index_cast %parallel_loop3A_592 : i32 to index
        %parallel_loop3A_594 = arith.index_cast %parallel_loop3A_332 : i32 to index
        %parallel_loop3A_595 = arith.constant 80 : index
        %parallel_loop3A_596 = tpu.vector_load %arg9[%parallel_loop3A_593, %parallel_loop3A_594, %parallel_loop3A_595] {strides = array<i32>} : memref<2x64x128xf32, #tpu.memory_space<vmem>>, vector<16xf32>,
        tpu.vector_store %arg9[%parallel_loop3A_593, %parallel_loop3A_594, %parallel_loop3A_595], %parallel_loop3A_591 {strides = array<i32>} : memref<2x64x128xf32, #tpu.memory_space<vmem>>, vector<16xf32>,
        %parallel_loop3A_597 = arith.constant 1 : i32
        %parallel_loop3A_598 = arith.constant 0 : i32
        %parallel_loop3A_599 = arith.index_cast %parallel_loop3A_597 : i32 to index
        %parallel_loop3A_600 = arith.index_cast %parallel_loop3A_598 : i32 to index
        %parallel_loop3A_601 = arith.index_cast %parallel_loop3A_332 : i32 to index
        %parallel_loop3A_602 = arith.constant 96 : index
        %parallel_loop3A_603 = tpu.vector_load %arg8[%parallel_loop3A_599, %parallel_loop3A_600, %parallel_loop3A_601, %parallel_loop3A_602] {strides = array<i32>} : memref<2x4x64x128xf32, #tpu.memory_space<vmem>>, vector<16xf32>,
        %parallel_loop3A_604 = arith.mulf %parallel_loop3A_338, %parallel_loop3A_603 : vector<16xf32>
        %parallel_loop3A_605 = arith.constant 1 : i32
        %parallel_loop3A_606 = arith.constant 1 : i32
        %parallel_loop3A_607 = arith.index_cast %parallel_loop3A_605 : i32 to index
        %parallel_loop3A_608 = arith.index_cast %parallel_loop3A_606 : i32 to index
        %parallel_loop3A_609 = arith.index_cast %parallel_loop3A_332 : i32 to index
        %parallel_loop3A_610 = arith.constant 96 : index
        %parallel_loop3A_611 = tpu.vector_load %arg8[%parallel_loop3A_607, %parallel_loop3A_608, %parallel_loop3A_609, %parallel_loop3A_610] {strides = array<i32>} : memref<2x4x64x128xf32, #tpu.memory_space<vmem>>, vector<16xf32>,
        %parallel_loop3A_612 = arith.mulf %parallel_loop3A_344, %parallel_loop3A_611 : vector<16xf32>
        %parallel_loop3A_613 = arith.addf %parallel_loop3A_604, %parallel_loop3A_612 : vector<16xf32>
        %parallel_loop3A_614 = arith.constant 1 : i32
        %parallel_loop3A_615 = arith.constant 2 : i32
        %parallel_loop3A_616 = arith.index_cast %parallel_loop3A_614 : i32 to index
        %parallel_loop3A_617 = arith.index_cast %parallel_loop3A_615 : i32 to index
        %parallel_loop3A_618 = arith.index_cast %parallel_loop3A_332 : i32 to index
        %parallel_loop3A_619 = arith.constant 96 : index
        %parallel_loop3A_620 = tpu.vector_load %arg8[%parallel_loop3A_616, %parallel_loop3A_617, %parallel_loop3A_618, %parallel_loop3A_619] {strides = array<i32>} : memref<2x4x64x128xf32, #tpu.memory_space<vmem>>, vector<16xf32>,
        %parallel_loop3A_621 = arith.mulf %parallel_loop3A_350, %parallel_loop3A_620 : vector<16xf32>
        %parallel_loop3A_622 = arith.constant 1 : i32
        %parallel_loop3A_623 = arith.constant 3 : i32
        %parallel_loop3A_624 = arith.index_cast %parallel_loop3A_622 : i32 to index
        %parallel_loop3A_625 = arith.index_cast %parallel_loop3A_623 : i32 to index
        %parallel_loop3A_626 = arith.index_cast %parallel_loop3A_332 : i32 to index
        %parallel_loop3A_627 = arith.constant 96 : index
        %parallel_loop3A_628 = tpu.vector_load %arg8[%parallel_loop3A_624, %parallel_loop3A_625, %parallel_loop3A_626, %parallel_loop3A_627] {strides = array<i32>} : memref<2x4x64x128xf32, #tpu.memory_space<vmem>>, vector<16xf32>,
        %parallel_loop3A_629 = arith.mulf %parallel_loop3A_356, %parallel_loop3A_628 : vector<16xf32>
        %parallel_loop3A_630 = arith.addf %parallel_loop3A_621, %parallel_loop3A_629 : vector<16xf32>
        %parallel_loop3A_631 = arith.addf %parallel_loop3A_613, %parallel_loop3A_630 : vector<16xf32>
        %parallel_loop3A_632 = arith.constant 1 : i32
        %parallel_loop3A_633 = arith.index_cast %parallel_loop3A_632 : i32 to index
        %parallel_loop3A_634 = arith.index_cast %parallel_loop3A_332 : i32 to index
        %parallel_loop3A_635 = arith.constant 96 : index
        %parallel_loop3A_636 = tpu.vector_load %arg9[%parallel_loop3A_633, %parallel_loop3A_634, %parallel_loop3A_635] {strides = array<i32>} : memref<2x64x128xf32, #tpu.memory_space<vmem>>, vector<16xf32>,
        tpu.vector_store %arg9[%parallel_loop3A_633, %parallel_loop3A_634, %parallel_loop3A_635], %parallel_loop3A_631 {strides = array<i32>} : memref<2x64x128xf32, #tpu.memory_space<vmem>>, vector<16xf32>,
        %parallel_loop3A_637 = arith.constant 1 : i32
        %parallel_loop3A_638 = arith.constant 0 : i32
        %parallel_loop3A_639 = arith.index_cast %parallel_loop3A_637 : i32 to index
        %parallel_loop3A_640 = arith.index_cast %parallel_loop3A_638 : i32 to index
        %parallel_loop3A_641 = arith.index_cast %parallel_loop3A_332 : i32 to index
        %parallel_loop3A_642 = arith.constant 112 : index
        %parallel_loop3A_643 = tpu.vector_load %arg8[%parallel_loop3A_639, %parallel_loop3A_640, %parallel_loop3A_641, %parallel_loop3A_642] {strides = array<i32>} : memref<2x4x64x128xf32, #tpu.memory_space<vmem>>, vector<16xf32>,
        %parallel_loop3A_644 = arith.mulf %parallel_loop3A_338, %parallel_loop3A_643 : vector<16xf32>
        %parallel_loop3A_645 = arith.constant 1 : i32
        %parallel_loop3A_646 = arith.constant 1 : i32
        %parallel_loop3A_647 = arith.index_cast %parallel_loop3A_645 : i32 to index
        %parallel_loop3A_648 = arith.index_cast %parallel_loop3A_646 : i32 to index
        %parallel_loop3A_649 = arith.index_cast %parallel_loop3A_332 : i32 to index
        %parallel_loop3A_650 = arith.constant 112 : index
        %parallel_loop3A_651 = tpu.vector_load %arg8[%parallel_loop3A_647, %parallel_loop3A_648, %parallel_loop3A_649, %parallel_loop3A_650] {strides = array<i32>} : memref<2x4x64x128xf32, #tpu.memory_space<vmem>>, vector<16xf32>,
        %parallel_loop3A_652 = arith.mulf %parallel_loop3A_344, %parallel_loop3A_651 : vector<16xf32>
        %parallel_loop3A_653 = arith.addf %parallel_loop3A_644, %parallel_loop3A_652 : vector<16xf32>
        %parallel_loop3A_654 = arith.constant 1 : i32
        %parallel_loop3A_655 = arith.constant 2 : i32
        %parallel_loop3A_656 = arith.index_cast %parallel_loop3A_654 : i32 to index
        %parallel_loop3A_657 = arith.index_cast %parallel_loop3A_655 : i32 to index
        %parallel_loop3A_658 = arith.index_cast %parallel_loop3A_332 : i32 to index
        %parallel_loop3A_659 = arith.constant 112 : index
        %parallel_loop3A_660 = tpu.vector_load %arg8[%parallel_loop3A_656, %parallel_loop3A_657, %parallel_loop3A_658, %parallel_loop3A_659] {strides = array<i32>} : memref<2x4x64x128xf32, #tpu.memory_space<vmem>>, vector<16xf32>,
        %parallel_loop3A_661 = arith.mulf %parallel_loop3A_350, %parallel_loop3A_660 : vector<16xf32>
        %parallel_loop3A_662 = arith.constant 1 : i32
        %parallel_loop3A_663 = arith.constant 3 : i32
        %parallel_loop3A_664 = arith.index_cast %parallel_loop3A_662 : i32 to index
        %parallel_loop3A_665 = arith.index_cast %parallel_loop3A_663 : i32 to index
        %parallel_loop3A_666 = arith.index_cast %parallel_loop3A_332 : i32 to index
        %parallel_loop3A_667 = arith.constant 112 : index
        %parallel_loop3A_668 = tpu.vector_load %arg8[%parallel_loop3A_664, %parallel_loop3A_665, %parallel_loop3A_666, %parallel_loop3A_667] {strides = array<i32>} : memref<2x4x64x128xf32, #tpu.memory_space<vmem>>, vector<16xf32>,
        %parallel_loop3A_669 = arith.mulf %parallel_loop3A_356, %parallel_loop3A_668 : vector<16xf32>
        %parallel_loop3A_670 = arith.addf %parallel_loop3A_661, %parallel_loop3A_669 : vector<16xf32>
        %parallel_loop3A_671 = arith.addf %parallel_loop3A_653, %parallel_loop3A_670 : vector<16xf32>
        %parallel_loop3A_672 = arith.constant 1 : i32
        %parallel_loop3A_673 = arith.index_cast %parallel_loop3A_672 : i32 to index
        %parallel_loop3A_674 = arith.index_cast %parallel_loop3A_332 : i32 to index
        %parallel_loop3A_675 = arith.constant 112 : index
        %parallel_loop3A_676 = tpu.vector_load %arg9[%parallel_loop3A_673, %parallel_loop3A_674, %parallel_loop3A_675] {strides = array<i32>} : memref<2x64x128xf32, #tpu.memory_space<vmem>>, vector<16xf32>,
        tpu.vector_store %arg9[%parallel_loop3A_673, %parallel_loop3A_674, %parallel_loop3A_675], %parallel_loop3A_671 {strides = array<i32>} : memref<2x64x128xf32, #tpu.memory_space<vmem>>, vector<16xf32>,
      } {sc.loop_unroll_factor = 2 : i64, sc.parallel_access}
      %add3A_309 = arith.constant 2 : i32
      %add3A_310 = arith.addi %add3A_242, %add3A_309 : i32
      %lt3A_311 = arith.constant 32 : i32
      %lt3A_312 = arith.cmpi slt, %add3A_310, %lt3A_311 : i32
      %convert_element_type3A_313 = arith.extui %lt3A_312 : i1 to i32
      %cond3A_314 = arith.constant 0 : i32
      %cond3A_315 = arith.cmpi ne, %convert_element_type3A_313, %cond3A_314 : i32
      scf.if %cond3A_315 {
        %add3A_332 = arith.constant 2 : i32
        %add3A_333 = arith.addi %add3A_242, %add3A_332 : i32
        %dma_start3A_334 = arith.constant 0 : i32
        %dma_start3A_335 = arith.constant 1 : i32
        %dma_start3A_336 = arith.constant 0 : i32
        %dma_start3A_337 = arith.constant 0 : i32
        %dma_start3A_338 = arith.constant 0 : i32
        %dma_start3A_339 = tpu.memref_slice %arg8[%dma_start3A_335, %dma_start3A_336, %dma_start3A_337, %dma_start3A_338] : memref<2x4x64x128xf32, #tpu.memory_space<vmem>> -> memref<1x1x64x128xf32, #tpu.memory_space<vmem>>
        %dma_start3A_340 = tpu.memref_squeeze %dma_start3A_339 : memref<1x1x64x128xf32, #tpu.memory_space<vmem>> -> memref<64x128xf32, #tpu.memory_space<vmem>>
        %dma_start3A_341 = arith.constant 0 : i32
        %dma_start3A_342 = tpu.memref_slice %arg6[%add3A_333, %dma_start3A_334, %dma_start3A_341] : memref<32x4x64xi32, #tpu.memory_space<vmem>> -> memref<1x1x64xi32, #tpu.memory_space<vmem>>
        %dma_start3A_343 = tpu.memref_squeeze %dma_start3A_342 : memref<1x1x64xi32, #tpu.memory_space<vmem>> -> memref<64xi32, #tpu.memory_space<vmem>>
        %dma_start3A_344 = arith.constant 0 : i32
        %dma_start3A_345 = arith.constant 0 : i32
        %dma_start3A_346 = tpu.memref_slice %arg2[%dma_start3A_344, %dma_start3A_345] : memref<259200x128xf32, #tpu.memory_space<hbm>> -> memref<259200x128xf32, #tpu.memory_space<hbm>>
        tpu.enqueue_indirect_dma source(%dma_start3A_346 : memref<259200x128xf32, #tpu.memory_space<hbm>>) target(%dma_start3A_340 : memref<64x128xf32, #tpu.memory_space<vmem>>) offsets(%dma_start3A_343 : memref<64xi32, #tpu.memory_space<vmem>>) semaphore(%arg11 : memref<!tpu.dma_semaphore, #tpu.memory_space<semaphore_mem>>)
        %dma_start3A_347 = arith.constant 1 : i32
        %dma_start3A_348 = arith.constant 1 : i32
        %dma_start3A_349 = arith.constant 1 : i32
        %dma_start3A_350 = arith.constant 0 : i32
        %dma_start3A_351 = arith.constant 0 : i32
        %dma_start3A_352 = tpu.memref_slice %arg8[%dma_start3A_348, %dma_start3A_349, %dma_start3A_350, %dma_start3A_351] : memref<2x4x64x128xf32, #tpu.memory_space<vmem>> -> memref<1x1x64x128xf32, #tpu.memory_space<vmem>>
        %dma_start3A_353 = tpu.memref_squeeze %dma_start3A_352 : memref<1x1x64x128xf32, #tpu.memory_space<vmem>> -> memref<64x128xf32, #tpu.memory_space<vmem>>
        %dma_start3A_354 = arith.constant 0 : i32
        %dma_start3A_355 = tpu.memref_slice %arg6[%add3A_333, %dma_start3A_347, %dma_start3A_354] : memref<32x4x64xi32, #tpu.memory_space<vmem>> -> memref<1x1x64xi32, #tpu.memory_space<vmem>>
        %dma_start3A_356 = tpu.memref_squeeze %dma_start3A_355 : memref<1x1x64xi32, #tpu.memory_space<vmem>> -> memref<64xi32, #tpu.memory_space<vmem>>
        %dma_start3A_357 = arith.constant 0 : i32
        %dma_start3A_358 = arith.constant 0 : i32
        %dma_start3A_359 = tpu.memref_slice %arg2[%dma_start3A_357, %dma_start3A_358] : memref<259200x128xf32, #tpu.memory_space<hbm>> -> memref<259200x128xf32, #tpu.memory_space<hbm>>
        tpu.enqueue_indirect_dma source(%dma_start3A_359 : memref<259200x128xf32, #tpu.memory_space<hbm>>) target(%dma_start3A_353 : memref<64x128xf32, #tpu.memory_space<vmem>>) offsets(%dma_start3A_356 : memref<64xi32, #tpu.memory_space<vmem>>) semaphore(%arg11 : memref<!tpu.dma_semaphore, #tpu.memory_space<semaphore_mem>>)
        %dma_start3A_360 = arith.constant 2 : i32
        %dma_start3A_361 = arith.constant 1 : i32
        %dma_start3A_362 = arith.constant 2 : i32
        %dma_start3A_363 = arith.constant 0 : i32
        %dma_start3A_364 = arith.constant 0 : i32
        %dma_start3A_365 = tpu.memref_slice %arg8[%dma_start3A_361, %dma_start3A_362, %dma_start3A_363, %dma_start3A_364] : memref<2x4x64x128xf32, #tpu.memory_space<vmem>> -> memref<1x1x64x128xf32, #tpu.memory_space<vmem>>
        %dma_start3A_366 = tpu.memref_squeeze %dma_start3A_365 : memref<1x1x64x128xf32, #tpu.memory_space<vmem>> -> memref<64x128xf32, #tpu.memory_space<vmem>>
        %dma_start3A_367 = arith.constant 0 : i32
        %dma_start3A_368 = tpu.memref_slice %arg6[%add3A_333, %dma_start3A_360, %dma_start3A_367] : memref<32x4x64xi32, #tpu.memory_space<vmem>> -> memref<1x1x64xi32, #tpu.memory_space<vmem>>
        %dma_start3A_369 = tpu.memref_squeeze %dma_start3A_368 : memref<1x1x64xi32, #tpu.memory_space<vmem>> -> memref<64xi32, #tpu.memory_space<vmem>>
        %dma_start3A_370 = arith.constant 0 : i32
        %dma_start3A_371 = arith.constant 0 : i32
        %dma_start3A_372 = tpu.memref_slice %arg2[%dma_start3A_370, %dma_start3A_371] : memref<259200x128xf32, #tpu.memory_space<hbm>> -> memref<259200x128xf32, #tpu.memory_space<hbm>>
        tpu.enqueue_indirect_dma source(%dma_start3A_372 : memref<259200x128xf32, #tpu.memory_space<hbm>>) target(%dma_start3A_366 : memref<64x128xf32, #tpu.memory_space<vmem>>) offsets(%dma_start3A_369 : memref<64xi32, #tpu.memory_space<vmem>>) semaphore(%arg11 : memref<!tpu.dma_semaphore, #tpu.memory_space<semaphore_mem>>)
        %dma_start3A_373 = arith.constant 3 : i32
        %dma_start3A_374 = arith.constant 1 : i32
        %dma_start3A_375 = arith.constant 3 : i32
        %dma_start3A_376 = arith.constant 0 : i32
        %dma_start3A_377 = arith.constant 0 : i32
        %dma_start3A_378 = tpu.memref_slice %arg8[%dma_start3A_374, %dma_start3A_375, %dma_start3A_376, %dma_start3A_377] : memref<2x4x64x128xf32, #tpu.memory_space<vmem>> -> memref<1x1x64x128xf32, #tpu.memory_space<vmem>>
        %dma_start3A_379 = tpu.memref_squeeze %dma_start3A_378 : memref<1x1x64x128xf32, #tpu.memory_space<vmem>> -> memref<64x128xf32, #tpu.memory_space<vmem>>
        %dma_start3A_380 = arith.constant 0 : i32
        %dma_start3A_381 = tpu.memref_slice %arg6[%add3A_333, %dma_start3A_373, %dma_start3A_380] : memref<32x4x64xi32, #tpu.memory_space<vmem>> -> memref<1x1x64xi32, #tpu.memory_space<vmem>>
        %dma_start3A_382 = tpu.memref_squeeze %dma_start3A_381 : memref<1x1x64xi32, #tpu.memory_space<vmem>> -> memref<64xi32, #tpu.memory_space<vmem>>
        %dma_start3A_383 = arith.constant 0 : i32
        %dma_start3A_384 = arith.constant 0 : i32
        %dma_start3A_385 = tpu.memref_slice %arg2[%dma_start3A_383, %dma_start3A_384] : memref<259200x128xf32, #tpu.memory_space<hbm>> -> memref<259200x128xf32, #tpu.memory_space<hbm>>
        tpu.enqueue_indirect_dma source(%dma_start3A_385 : memref<259200x128xf32, #tpu.memory_space<hbm>>) target(%dma_start3A_379 : memref<64x128xf32, #tpu.memory_space<vmem>>) offsets(%dma_start3A_382 : memref<64xi32, #tpu.memory_space<vmem>>) semaphore(%arg11 : memref<!tpu.dma_semaphore, #tpu.memory_space<semaphore_mem>>)
      } else {
      }
      %add3A_316 = arith.addi %mul3A_2, %add3A_242 : i32
      %mul3A_317 = arith.constant 64 : i32
      %mul3A_318 = arith.muli %add3A_316, %mul3A_317 : i32
      %dma_start3A_319 = arith.constant 1 : i32
      %dma_start3A_320 = arith.constant 0 : i32
      %dma_start3A_321 = arith.constant 0 : i32
      %dma_start3A_322 = tpu.memref_slice %arg9[%dma_start3A_319, %dma_start3A_320, %dma_start3A_321] : memref<2x64x128xf32, #tpu.memory_space<vmem>> -> memref<1x64x128xf32, #tpu.memory_space<vmem>>
      %dma_start3A_323 = tpu.memref_squeeze %dma_start3A_322 : memref<1x64x128xf32, #tpu.memory_space<vmem>> -> memref<64x128xf32, #tpu.memory_space<vmem>>
      %dma_start3A_324 = arith.constant 0 : i32
      %dma_start3A_325 = tpu.memref_slice %arg5[%mul3A_318, %dma_start3A_324] : memref<65536x128xf32, #tpu.memory_space<hbm>> -> memref<64x128xf32, #tpu.memory_space<hbm>>
      %dma_start3A_326 = arith.constant 0 : i32
      %dma_start3A_327 = tpu.memref_slice %arg5[%mul3A_318, %dma_start3A_326] : memref<65536x128xf32, #tpu.memory_space<hbm>> -> memref<64x128xf32, #tpu.memory_space<hbm>>
      %dma_start3A_328 = arith.constant 0 : i32
      %dma_start3A_329 = arith.constant 0 : i32
      %dma_start3A_330 = tpu.memref_slice %arg9[%dma_start3A_319, %dma_start3A_328, %dma_start3A_329] : memref<2x64x128xf32, #tpu.memory_space<vmem>> -> memref<1x64x128xf32, #tpu.memory_space<vmem>>
      %dma_start3A_331 = tpu.memref_squeeze %dma_start3A_330 : memref<1x64x128xf32, #tpu.memory_space<vmem>> -> memref<64x128xf32, #tpu.memory_space<vmem>>
      tpu.enqueue_dma source(%dma_start3A_331 : memref<64x128xf32, #tpu.memory_space<vmem>>) target(%dma_start3A_327 : memref<64x128xf32, #tpu.memory_space<hbm>>) target_semaphore(%arg13 : memref<!tpu.dma_semaphore, #tpu.memory_space<semaphore_mem>>)
    }
    %scan3A_120 = arith.constant 16 : i32
    %dma_wait3A = arith.constant 0 : i32
    %dma_wait3A_121 = arith.constant 0 : i32
    %dma_wait3A_122 = arith.constant 0 : i32
    %dma_wait3A_123 = tpu.memref_slice %arg9[%dma_wait3A, %dma_wait3A_121, %dma_wait3A_122] : memref<2x64x128xf32, #tpu.memory_space<vmem>> -> memref<1x64x128xf32, #tpu.memory_space<vmem>>
    %dma_wait3A_124 = tpu.memref_squeeze %dma_wait3A_123 : memref<1x64x128xf32, #tpu.memory_space<vmem>> -> memref<64x128xf32, #tpu.memory_space<vmem>>
    %dma_wait3A_125 = arith.constant 0 : i32
    %dma_wait3A_126 = arith.constant 0 : i32
    %dma_wait3A_127 = tpu.memref_slice %arg5[%dma_wait3A_125, %dma_wait3A_126] : memref<65536x128xf32, #tpu.memory_space<hbm>> -> memref<64x128xf32, #tpu.memory_space<hbm>>
    %dma_wait3A_128 = arith.constant 0 : i32
    %dma_wait3A_129 = arith.constant 0 : i32
    %dma_wait3A_130 = tpu.memref_slice %arg5[%dma_wait3A_128, %dma_wait3A_129] : memref<65536x128xf32, #tpu.memory_space<hbm>> -> memref<64x128xf32, #tpu.memory_space<hbm>>
    %dma_wait3A_131 = arith.constant 0 : i32
    %dma_wait3A_132 = arith.constant 0 : i32
    %dma_wait3A_133 = tpu.memref_slice %arg9[%dma_wait3A, %dma_wait3A_131, %dma_wait3A_132] : memref<2x64x128xf32, #tpu.memory_space<vmem>> -> memref<1x64x128xf32, #tpu.memory_space<vmem>>
    %dma_wait3A_134 = tpu.memref_squeeze %dma_wait3A_133 : memref<1x64x128xf32, #tpu.memory_space<vmem>> -> memref<64x128xf32, #tpu.memory_space<vmem>>
    tpu.wait_dma2 semaphore(%arg12 : memref<!tpu.dma_semaphore, #tpu.memory_space<semaphore_mem>>) src(%dma_wait3A_134 : memref<64x128xf32, #tpu.memory_space<vmem>>) dst(%dma_wait3A_130 : memref<64x128xf32, #tpu.memory_space<hbm>>)
    %dma_wait3A_135 = arith.constant 1 : i32
    %dma_wait3A_136 = arith.constant 0 : i32
    %dma_wait3A_137 = arith.constant 0 : i32
    %dma_wait3A_138 = tpu.memref_slice %arg9[%dma_wait3A_135, %dma_wait3A_136, %dma_wait3A_137] : memref<2x64x128xf32, #tpu.memory_space<vmem>> -> memref<1x64x128xf32, #tpu.memory_space<vmem>>
    %dma_wait3A_139 = tpu.memref_squeeze %dma_wait3A_138 : memref<1x64x128xf32, #tpu.memory_space<vmem>> -> memref<64x128xf32, #tpu.memory_space<vmem>>
    %dma_wait3A_140 = arith.constant 0 : i32
    %dma_wait3A_141 = arith.constant 0 : i32
    %dma_wait3A_142 = tpu.memref_slice %arg5[%dma_wait3A_140, %dma_wait3A_141] : memref<65536x128xf32, #tpu.memory_space<hbm>> -> memref<64x128xf32, #tpu.memory_space<hbm>>
    %dma_wait3A_143 = arith.constant 0 : i32
    %dma_wait3A_144 = arith.constant 0 : i32
    %dma_wait3A_145 = tpu.memref_slice %arg5[%dma_wait3A_143, %dma_wait3A_144] : memref<65536x128xf32, #tpu.memory_space<hbm>> -> memref<64x128xf32, #tpu.memory_space<hbm>>
    %dma_wait3A_146 = arith.constant 0 : i32
    %dma_wait3A_147 = arith.constant 0 : i32
    %dma_wait3A_148 = tpu.memref_slice %arg9[%dma_wait3A_135, %dma_wait3A_146, %dma_wait3A_147] : memref<2x64x128xf32, #tpu.memory_space<vmem>> -> memref<1x64x128xf32, #tpu.memory_space<vmem>>
    %dma_wait3A_149 = tpu.memref_squeeze %dma_wait3A_148 : memref<1x64x128xf32, #tpu.memory_space<vmem>> -> memref<64x128xf32, #tpu.memory_space<vmem>>
    tpu.wait_dma2 semaphore(%arg13 : memref<!tpu.dma_semaphore, #tpu.memory_space<semaphore_mem>>) src(%dma_wait3A_149 : memref<64x128xf32, #tpu.memory_space<vmem>>) dst(%dma_wait3A_145 : memref<64x128xf32, #tpu.memory_space<hbm>>)
    return
  }
}

</mosaic_0001>

<sc_bundles>
// kernel: kernel.3.cloned.1.call-start
scs
__scs_entry_jumppad:
0x0: {  	(pc) =	sbr.rel $0x88, $3  }
0x1: {  	(tag) =	ssettag $0x0;
	lr =	simm.s32 $0x1  }
0x2: {  	[smem:$0x3F9E] =	sst lr;
	_ =	strace $0xD0000000  }
0x3: {  	_ = 	snop  }
0x4: {  	_ = 	snop  }
0x5: {  	_ = 	snop  }
0x6: {  	_ = 	snop  }
0x7: {  	_ = 	snop  }
__scs_overlays_trampoline_lowered:
0x8: {  	[smem:$0x3FAD] =	sst s0  }
0x9: {  	[smem:$0x3FAE] =	sst s1  }
0xa: {  	[smem:$0x3FAF] =	sst s2  }
0xb: {  	[smem:$0x3FB0] =	sst s3  }
0xc: {  	[smem:$0x3FB1] =	sst s4  }
0xd: {  	[smem:$0x3FB2] =	sst s5  }
0xe: {  	[smem:$0x3FB3] =	sst s6  }
0xf: {  	[smem:$0x3FB4] =	sst s7  }
0x10: {  	[smem:$0x3FB5] =	sst s8  }
0x11: {  	[smem:$0x3FB6] =	sst s9;
	s0 =	simm.s32 @!p0 $0x0  }
0x12: {  	s1 =	sld [smem:$0x3F9C];
	s0 =	simm.s32 @p0 $0x1  }
0x13: {  	[smem:$0x3FB7] =	sst s0;
	s0 =	simm.s32 @!p1 $0x0  }
0x14: {  	s2 =	sld [smem:$0x3F9B];
	s0 =	simm.s32 @p1 $0x1  }
0x15: {  	[smem:$0x3FB8] =	sst s0;
	s0 =	simm.s32 @!p2 $0x0  }
0x16: {  	s3 =	sld [smem:$0x3FDB];
	s0 =	simm.s32 @p2 $0x1  }
0x17: {  	s4 =	simm.s32 $0x1BF5;
	[smem:$0x3FBA] =	sst s0  }
0x18: {  	s0 =	sld [smem:$0x3F9D];
	_ =	swait.ge [sflag:s4], $0x0  }
0x19: {  	s7 =	sld [smem:$0x3F9E]  }
0x1a: {  	s8 =	sadd.s32 $0xFFFFE003, lr  }
0x1b: {  	s9 =	sadd.s32 $0xFFFFFEF7, lr;
	s5 =	simm.s32 $0xFFFFFFFF;
	p2 =	slt.u32 s8, $0xFFFFF086  }
0x1c: {  	p1 =	slt.u32 s9, $0xF7A;
	s5 =	simm.s32 @!p2 $0x0  }
0x1d: {  	s5 =	simm.s32 @p1 $0x1;
	p0 =	seq.s32 s7, s2  }
0x1e: {  	s7 =	smul.u32 @!p0 $0xF7A, s2;
	p2 =	seq.s32 @!p0 s5, $0x0  }
0x1f: {  	s9 =	smul.u32 $0xF7A, s1;
	s8 =	simm.s32 @!p0 $0x1BF5;
	p2 =	por !p2, p0  }
0x20: {  	[sflag:s8] =	ssyncset.s32 @!p0 $0xFFFFF086;
	s6 =	sadd.s32 @!p0 s3, s7;
	s7 =	simm.s32 @!p0 $0x108  }
0x21: {  	s3 =	sadd.s32 s3, s9;
	s6 =	sadd.s32 @!p0 $0x88, s6;
	s7 =	simm.s32 @p2 $0x1082  }
0x22: {  	[simem:s7], [sflag:s8] =	dma.local @!p0 [hbm:s6], $0xF7A  }
0x23: {  	s9 =	sor.u32 $0xD0000000, s2;
	s6 =	simm.s32 $0x108;
	_ =	swait.ge @!p0 [sflag:s8], $0x0  }
0x24: {  	s3 =	sadd.s32 $0x88, s3;
	s6 =	simm.s32 @!p1 $0x1082;
	[sflag:s4] =	ssyncset.s32 $0xFFFFF086  }
0x25: {  	[simem:s6], [sflag:s4] =	dma.local [hbm:s3], $0xF7A  }
0x26: {  	[smem:$0x3F9E] =	sst s1;
	(tag) =	ssettag s2;
	_ =	strace s9  }
0x27: {  	s1 =	sld [smem:$0x3FAE]  }
0x28: {  	s2 =	sld [smem:$0x3FAF]  }
0x29: {  	s4 =	sld [smem:$0x3FB1]  }
0x2a: {  	p0 =	seq.s32 s5, $0x0;
	s5 =	sld [smem:$0x3FB2]  }
0x2b: {  	s6 =	sld [smem:$0x3FB3]  }
0x2c: {  	s7 =	sld [smem:$0x3FB4]  }
0x2d: {  	s3 =	simm.s32 $0x108;
	s8 =	sld [smem:$0x3FB5]  }
0x2e: {  	s3 =	simm.s32 @!p0 $0x1082;
	s9 =	sld [smem:$0x3FB6]  }
0x2f: {  	lr =	sadd.s32 s0, s3;
	s0 =	sld [smem:$0x3FAD]  }
0x30: {  	s3 =	sld [smem:$0x3FB0]  }
0x31: {  	[smem:$0x3FB9] =	sst s10  }
0x32: {  	s10 =	sld [smem:$0x3FB7];
	_ =	sdelay $0x3  }
0x33: {  	p0 =	seq.s32 s10, $0x1;
	s10 =	sld [smem:$0x3FB9];
	_ =	sdelay $0x3  }
0x34: {  	[smem:$0x3FB9] =	sst s10  }
0x35: {  	s10 =	sld [smem:$0x3FB8];
	_ =	sdelay $0x3  }
0x36: {  	p1 =	seq.s32 s10, $0x1;
	s10 =	sld [smem:$0x3FB9];
	_ =	sdelay $0x3  }
0x37: {  	[smem:$0x3FB9] =	sst s10  }
0x38: {  	s10 =	sld [smem:$0x3FBA]  }
0x39: {  	_ = 	snop;
	(pc) =	sbr.ind lr, $3  }
0x3a: {  	_ = 	snop  }
0x3b: {  	_ = 	snop  }
0x3c: {  	p2 =	seq.s32 s10, $0x1;
	s10 =	sld [smem:$0x3FB9]  }
0x3d: {  	_ =	shalt  }
0x3e: {  	_ =	shalt  }
0x3f: {  	_ =	shalt  }
0x40: {  	_ =	shalt  }
0x41: {  	_ =	shalt  }
0x42: {  	_ =	shalt  }
0x43: {  	_ =	shalt  }
0x44: {  	_ =	shalt  }
0x45: {  	_ =	shalt  }
0x46: {  	_ =	shalt  }
0x47: {  	_ =	shalt  }
0x48: {  	_ =	shalt  }
0x49: {  	_ =	shalt  }
0x4a: {  	_ =	shalt  }
0x4b: {  	_ =	shalt  }
0x4c: {  	_ =	shalt  }
0x4d: {  	_ =	shalt  }
0x4e: {  	_ =	shalt  }
0x4f: {  	_ =	shalt  }
0x50: {  	_ =	shalt  }
0x51: {  	_ =	shalt  }
0x52: {  	_ =	shalt  }
0x53: {  	_ =	shalt  }
0x54: {  	_ =	shalt  }
0x55: {  	_ =	shalt  }
0x56: {  	_ =	shalt  }
0x57: {  	_ =	shalt  }
0x58: {  	_ =	shalt  }
0x59: {  	_ =	shalt  }
0x5a: {  	_ =	shalt  }
0x5b: {  	_ =	shalt  }
0x5c: {  	_ =	shalt  }
0x5d: {  	_ =	shalt  }
0x5e: {  	_ =	shalt  }
0x5f: {  	_ =	shalt  }
0x60: {  	_ =	shalt  }
0x61: {  	_ =	shalt  }
0x62: {  	_ =	shalt  }
0x63: {  	_ =	shalt  }
0x64: {  	_ =	shalt  }
0x65: {  	_ =	shalt  }
0x66: {  	_ =	shalt  }
0x67: {  	_ =	shalt  }
0x68: {  	_ =	shalt  }
0x69: {  	_ =	shalt  }
0x6a: {  	_ =	shalt  }
0x6b: {  	_ =	shalt  }
0x6c: {  	_ =	shalt  }
0x6d: {  	_ =	shalt  }
0x6e: {  	_ =	shalt  }
0x6f: {  	_ =	shalt  }
0x70: {  	_ =	shalt  }
0x71: {  	_ =	shalt  }
0x72: {  	_ =	shalt  }
0x73: {  	_ =	shalt  }
0x74: {  	_ =	shalt  }
0x75: {  	_ =	shalt  }
0x76: {  	_ =	shalt  }
0x77: {  	_ =	shalt  }
0x78: {  	_ =	shalt  }
0x79: {  	_ =	shalt  }
0x7a: {  	_ =	shalt  }
0x7b: {  	_ =	shalt  }
0x7c: {  	_ =	shalt  }
0x7d: {  	_ =	shalt  }
0x7e: {  	_ =	shalt  }
0x7f: {  	_ =	shalt  }
0x80: {  	_ =	shalt  }
0x81: {  	_ =	shalt  }
0x82: {  	_ =	shalt  }
0x83: {  	_ =	shalt  }
0x84: {  	_ =	shalt  }
0x85: {  	_ =	shalt  }
0x86: {  	_ =	shalt  }
0x87: {  	_ =	shalt  }
.Lfunc_end0:
.L_simem_size_0:
called_computation.1_lowered:
.L_overlay_start_0:
0x88: {  	s2 =	sld [smem:$0x3FD9]  }
0x89: {  	s3 =	sld [smem:$0x3FFE];
	_ =	sdelay $0x1  }
0x8a: {  	s1 =	srdreg.scid  }
0x8b: {  	s0 =	sand.u32 $0x1, s1  }
0x8c: {  	s17 =	sshll.u32 s0, $0xA;
	s2 =	sadd.s32 s3, s2  }
0x8d: {  	s2 =	sadd.s32 s2, s17  }
0x8e: {  	[smem:$0x3FC5] =	sst s2  }
0x8f: {  	_ = 	snop  }
0x90: {  	s2 =	sld [smem:$0x3FD0];
	(tm) =	ssettm $0x1  }
0x91: {  	s18 =	sld [smem:$0x3FFB];
	_ =	sdelay $0x3  }
0x92: {  	_ =	strace s18  }
0x93: {  	s3 =	sld [smem:$0x3FFC];
	_ =	sdelay $0x3  }
0x94: {  	_ =	strace s3  }
0x95: {  	s3 =	sld [smem:$0x3FFD];
	_ =	sdelay $0x3  }
0x96: {  	_ =	strace s3  }
0x97: {  	_ =	strace $0x8FFFFFFF  }
0x98: {  	s19 =	sld [smem:$0x3FDB];
	_ =	sdelay $0x1  }
0x99: {  	s4 =	simm.s32 $_scs_section_size  }
0x9a: {  	s5 =	simm.s32 $_size__tile_overlayer_lowered;
	s6 =	simm.s32 $_tile_overlayer_lowered  }
0x9b: {  	s22 =	simm.s32 $0x1BFF;
	s21 =	sshll.u32 s6, $0x1;
	s3 =	sadd.s32 s4, s19  }
0x9c: {  	s7 =	simm.s32 $0x0;
	s20 =	sshll.u32 s5, $0x1;
	s5 =	sadd.s32 s21, s3  }
0x9d: {  	[timem:s7], [sflag:s22] =	dma.local [hbm:s5], s20  }
0x9e: {  	_ =	swait.ge [sflag:s22], s20  }
0x9f: {  	s4 =	ssub.s32 $0x0, s20;
	[sflag:s22] =	ssyncset.done $0x0  }
0xa0: {  	[sflag:s22] =	ssyncadd.s32 s4;
	_ =	sdelay $0x1  }
0xa1: {  	s23 =	simm.s32 $0x1B8B  }
0xa2: {  	_ =	swait.ge [sflag:s23], $0x1  }
0xa3: {  	[sflag:s23] =	ssyncset.done $0x0  }
0xa4: {  	s25 =	simm.s32 $0x1B8E;
	s24 =	sld [smem:$0x3FFE];
	[sflag:s23] =	ssyncadd.s32 $0xFFFFFFFF  }
0xa5: {  	s26 =	simm.s32 $execute0_lowered;
	[smem:$0x3FD2] =	sst s25  }
0xa6: {  	s5 =	sshll.u32 s26, $0x1;
	_ =	strace $0x80000049;
	[dreg:$0x1] =	wrdreg $0xFFFFFFFF  }
0xa7: {  	s28 =	simm.s32 $_size_execute0_lowered;
	s3 =	sadd.s32 s3, s5;
	[dreg:$0x0] =	wrdreg $0x0  }
0xa8: {  	s5 =	sshll.u32 s28, $0x1;
	[dreg:$0x2] =	wrdreg s3  }
0xa9: {  	[dreg:$0x3] =	wrdreg s5  }
0xaa: {  	[dreg:$0x4] =	wrdreg $0xC0  }
0xab: {  	_ =	task [dreg:s7], $0x5FFFF  }
0xac: {  	[dreg:$0x1] =	wrdreg $0xFFFFFFFF  }
0xad: {  	[dreg:$0x0] =	wrdreg $0x60  }
0xae: {  	[dreg:$0x2] =	wrdreg s24  }
0xaf: {  	[dreg:$0x3] =	wrdreg s2  }
0xb0: {  	[dreg:$0x4] =	wrdreg $0x9  }
0xb1: {  	_ =	task.clear_ibuf [dreg:s7], $0x5FFFF;
	_ =	strace $0x90000049  }
0xb2: {  	s29 =	simm.s32 $0x9;
	_ =	strace $0x8000004B  }
0xb3: {  	_ =	swait.ge [sflag:s29], $0x1  }
0xb4: {  	[sflag:s29] =	ssyncadd.s32 $0xFFFFFFFF  }
0xb5: {  	_ =	strace $0x9000004B  }
0xb6: {  	_ =	sfence  }
0xb7: {  	s30 =	sld [smem:$0x0];
	_ =	sdelay $0x2  }
0xb8: {  	s31 =	sshll.u32 s1, $0xD;
	s1 =	sshrl.u32 s1, $0x2  }
0xb9: {  	s3 =	sand.u32 $0x4000, s31;
	s1 =	sadd.s32 s1, s30  }
0xba: {  	s0 =	sor.u32 s3, s0;
	s1 =	sshll.u32 s1, $0x11  }
0xbb: {  	s0 =	sor.u32 s1, s0  }
0xbc: {  	s0 =	sadd.s32 $0x8F2B, s0  }
0xbd: {  	[sflag:s0] =	ssyncadd.remote.s32 $0x1  }
0xbe: {  	_ =	sfence.sel $0xFFFF  }
0xbf: {  	[dreg:$0x0] =	wrdreg $0xFFFFFFFF;
	(pc) =	sbr.abs _section_cstart, $3  }
0xc0: {  	[dreg:$0x1] =	wrdreg $0xFFFFFFFF  }
0xc1: {  	_ =	task.clear_ibuf [dreg:s7], $0x2FFFF;
	_ =	strace $0x9FFFFFFF  }
0xc2: {  	(tm) =	ssettm $0x7FFFFFFF  }
0xc3: {  	_ =	shalt  }
tec
execute0_lowered:
.L_overlay_start_1:
0x0: {  	(tag) =	ssettag $0x1  }
0x1: {  	s0 =	rddreg [dreg:$0x0]  }
0x2: {  	s2 =	rddreg [dreg:$0x1];
	s3 =	simm.s32 $0x0;
	s1 =	srdreg.scid  }
0x3: {  	s4 =	stileid.u32;
	s9 =	simm.s32 $0x5;
	s10 =	simm.s32 $0x4000  }
0x4: {  	s11 =	simm.s32 $0x40;
	s22 =	simm.s32 $0x10000;
	s23 =	simm.s32 $0x300  }
0x5: {  	s24 =	simm.s32 $0x12000;
	s25 =	simm.s32 $0x380;
	s28 =	simm.s32 $0x1  }
0x6: {  	s29 =	simm.s32 $0x16000;
	s30 =	simm.s32 $0x2;
	s31 =	simm.s32 $0x18000  }
0x7: {  	s12 =	simm.s32 $0x0;
	s1 =	sand.u32 $0x1, s1;
	s5 =	sshll.u32 s4, $0x1  }
0x8: {  	[smem:$0x7FF] =	sst s3;
	s4 =	sadd.s32 $0xC00, s0;
	s5 =	sor.u32 s1, s5  }
0x9: {  	_ =	strace $0x8000004A;
	s1 =	ssub.s32 $0x2, s1;
	s6 =	sshll.u32 s5, $0xB  }
0xa: {  	s7 =	sshll.u32 s5, $0xA;
	s26 =	sshrl.u32 s1, $0x1;
	s6 =	sadd.s32 s6, s0  }
0xb: {  	s0 =	sadd.s32 s7, s0;
	s1 =	ssub.s32 s1, s26;
	s26 =	simm.s32 $0x14000  }
0xc: {  	s5 =	sshll.u32 s5, $0x5;
	s6 =	sadd.s32 $0x3FD400, s6;
	s7 =	sadd.s32 $0x3F5400, s0  }
0xd: {  	s8 =	smax.u32 s1, $0x1;
	s0 =	simm.s32 $0x3;
	s1 =	simm.s32 $0x4  }
.LBB2_1:
0xe: {  	[tilespmem:s3], [sflag:$0x5] =	stream.linear.gather [hbm4b:s6+s3], $0x4000, $0x38;
	[tilespmem:$0x1A000] =	vst v63  }
0xf: {  	_ =	swait.ge [sflag:s9], $0x4000  }
0x10: {  	[sflag:s9] =	ssyncset.done $0x0  }
0x11: {  	[sflag:s9] =	ssyncadd.s32 $0xFFFFC000  }
0x12: {  	[tilespmem:s10], [sflag:$0x5] =	stream.linear.gather [hbm4b:s7+s3], $0x2000, $0x38;
	[tilespmem:$0x1A000] =	vst v63  }
0x13: {  	_ =	swait.ge [sflag:s9], $0x2000  }
0x14: {  	[sflag:s9] =	ssyncset.done $0x0  }
0x15: {  	s13 =	simm.s32 $0x6000;
	[sflag:s9] =	ssyncadd.s32 $0xFFFFE000  }
0x16: {  	[tilespmem:s13], [sflag:$0x1] =	stream.indirect.gather [hbm4b:s4+s11], $0x80, s3, s11, $0xb8;
	[tilespmem:$0x1A000] =	vst v63  }
0x17: {  	s21 =	simm.s32 $0x80;
	s14 =	simm.s32 $0x8000  }
0x18: {  	[tilespmem:s14], [sflag:$0x1] =	stream.indirect.gather [hbm4b:s4+s11], $0x80, s21, s11, $0xb8;
	[tilespmem:$0x1A000] =	vst v63  }
0x19: {  	s15 =	simm.s32 $0x100;
	s16 =	simm.s32 $0xA000  }
0x1a: {  	[tilespmem:s16], [sflag:$0x1] =	stream.indirect.gather [hbm4b:s4+s11], $0x80, s15, s11, $0xb8;
	[tilespmem:$0x1A000] =	vst v63  }
0x1b: {  	s17 =	simm.s32 $0x180;
	s18 =	simm.s32 $0xC000  }
0x1c: {  	[tilespmem:s18], [sflag:$0x1] =	stream.indirect.gather [hbm4b:s4+s11], $0x80, s17, s11, $0xb8;
	[tilespmem:$0x1A000] =	vst v63  }
0x1d: {  	s19 =	simm.s32 $0x200;
	s20 =	simm.s32 $0xE000  }
0x1e: {  	[tilespmem:s20], [sflag:$0x2] =	stream.indirect.gather [hbm4b:s4+s11], $0x80, s19, s11, $0xb8;
	[tilespmem:$0x1A000] =	vst v63  }
0x1f: {  	s21 =	simm.s32 $0x280  }
0x20: {  	[tilespmem:s22], [sflag:$0x2] =	stream.indirect.gather [hbm4b:s4+s11], $0x80, s21, s11, $0xb8;
	[tilespmem:$0x1A000] =	vst v63  }
0x21: {  	_ = 	snop  }
0x22: {  	[tilespmem:s24], [sflag:$0x2] =	stream.indirect.gather [hbm4b:s4+s11], $0x80, s23, s11, $0xb8;
	[tilespmem:$0x1A000] =	vst v63  }
0x23: {  	s13 =	simm.s32 $0x0;
	s14 =	simm.s32 $0x0  }
0x24: {  	[tilespmem:s26], [sflag:$0x2] =	stream.indirect.gather [hbm4b:s4+s11], $0x80, s25, s11, $0xb8;
	[tilespmem:$0x1A000] =	vst v63  }
.LBB2_2:
0x25: {  	p1 =	seq.s32 s14, $0x0  }
0x26: {  	s15 =	simm.s32 @!p1 $0x3  }
0x27: {  	_ =	swait.ge @!p1 [sflag:s15], $0x2000  }
0x28: {  	[sflag:s15] =	ssyncset.done @!p1 $0x0  }
0x29: {  	[sflag:s15] =	ssyncadd.s32 @!p1 $0xFFFFE000  }
0x2a: {  	_ =	swait.ge [sflag:s28], $0x2000  }
0x2b: {  	[sflag:s28] =	ssyncset.done $0x0  }
0x2c: {  	[sflag:s28] =	ssyncadd.s32 $0xFFFFE000  }
0x2d: {  	_ =	swait.ge [sflag:s28], $0x2000  }
0x2e: {  	[sflag:s28] =	ssyncset.done $0x0  }
0x2f: {  	[sflag:s28] =	ssyncadd.s32 $0xFFFFE000  }
0x30: {  	_ =	swait.ge [sflag:s28], $0x2000  }
0x31: {  	[sflag:s28] =	ssyncset.done $0x0  }
0x32: {  	s21 =	sadd.s32 $0xFFFFFFFE, s13;
	[sflag:s28] =	ssyncadd.s32 $0xFFFFE000  }
0x33: {  	s16 =	sadd.s32 $0x3, s21;
	_ =	swait.ge [sflag:s28], $0x2000  }
0x34: {  	v2 =	vmov s16;
	s15 =	sadd.s32 $0x2, s21;
	[sflag:s28] =	ssyncset.done $0x0  }
0x35: {  	s17 =	simm.s32 $0x0;
	v0 =	vor.u32 $0x40, v2;
	v3 =	vmov s15;
	[sflag:s28] =	ssyncadd.s32 $0xFFFFE000  }
0x36: {  	v4 =	vor.u32 $0x40, v3;
	v6 =	vld [tilespmem:s17+$0x60F0]  }
0x37: {  	v5 =	vor.u32 $0x80, v3;
	v7 =	vld [tilespmem:s17+$0x80F0]  }
0x38: {  	v8 =	vor.u32 $0xC0, v3;
	v9 =	vld [tilespmem:s17+$0xA0F0]  }
0x39: {  	v1 =	vld.idx.msk [tilespmem:v2+s10+$0x0], $0xffff  }
0x3a: {  	v0 =	vld.idx.msk [tilespmem:v0+s10+$0x0], $0xffff  }
0x3b: {  	v10 =	vld.idx.msk [tilespmem:v4+s10+$0x0], $0xffff  }
0x3c: {  	v5 =	vld.idx.msk [tilespmem:v5+s10+$0x0], $0xffff  }
0x3d: {  	v4 =	vld.idx.msk [tilespmem:v8+s10+$0x0], $0xffff  }
0x3e: {  	v8 =	vld.idx.msk [tilespmem:v3+s10+$0x0], $0xffff  }
0x3f: {  	v3 =	vld [tilespmem:s17+$0x6000]  }
0x40: {  	v11 =	vld [tilespmem:s17+$0x8000]  }
0x41: {  	v12 =	vld [tilespmem:s17+$0xA000]  }
0x42: {  	v13 =	vld [tilespmem:s17+$0xC000]  }
0x43: {  	v14 =	vld [tilespmem:s17+$0x6010]  }
0x44: {  	v15 =	vld [tilespmem:s17+$0x8010]  }
0x45: {  	v19 =	vor.u32 $0x80, v2;
	v16 =	vld [tilespmem:s17+$0xA010]  }
0x46: {  	v17 =	vld [tilespmem:s17+$0xC010]  }
0x47: {  	v18 =	vld [tilespmem:s17+$0x6020]  }
0x48: {  	v20 =	vld [tilespmem:s17+$0x8020]  }
0x49: {  	v21 =	vld [tilespmem:s17+$0x8030]  }
0x4a: {  	v22 =	vor.u32 $0xC0, v2;
	v2 =	vld.idx.msk [tilespmem:v19+s10+$0x0], $0xffff  }
0x4b: {  	v30 =	vld [tilespmem:s17+$0xC030]  }
0x4c: {  	v33 =	vld [tilespmem:s17+$0x6040];
	v3 =	vmul.f32 v3, v8;
	v11 =	vmul.f32 v11, v10  }
0x4d: {  	v34 =	vld [tilespmem:s17+$0x8040];
	v12 =	vmul.f32 v12, v5;
	v13 =	vmul.f32 v13, v4  }
0x4e: {  	v35 =	vld [tilespmem:s17+$0xC040]  }
0x4f: {  	v3 =	vadd.f32 v11, v3;
	v11 =	vadd.f32 v13, v12;
	v12 =	vld [tilespmem:s17+$0xA020]  }
0x50: {  	v14 =	vmul.f32 v14, v8;
	v15 =	vmul.f32 v15, v10;
	v13 =	vld [tilespmem:s17+$0xC020]  }
0x51: {  	v37 =	vld [tilespmem:s17+$0x8050];
	v16 =	vmul.f32 v16, v5;
	v17 =	vmul.f32 v17, v4;
	v3 =	vadd.f32 v11, v3  }
0x52: {  	v38 =	vld [tilespmem:s17+$0xC0F0]  }
0x53: {  	v11 =	vld [tilespmem:s17+$0x6030];
	[tilespmem:s17+$0x16000] =	vst v3;
	v3 =	vadd.f32 v15, v14;
	v14 =	vadd.f32 v17, v16  }
0x54: {  	v31 =	vmul.f32 v18, v8;
	v32 =	vmul.f32 v20, v10;
	v15 =	vld [tilespmem:s17+$0xA030]  }
0x55: {  	v39 =	vld [tilespmem:s17+$0xC050];
	v12 =	vmul.f32 v12, v5;
	v13 =	vmul.f32 v13, v4;
	v14 =	vadd.f32 v14, v3  }
0x56: {  	v42 =	vld [tilespmem:s17+$0x8060]  }
0x57: {  	v43 =	vld [tilespmem:s17+$0xA060];
	v12 =	vadd.f32 v13, v12;
	[tilespmem:s17+$0x16010] =	vst v14;
	v14 =	vadd.f32 v32, v31  }
0x58: {  	v36 =	vmul.f32 v21, v10;
	v16 =	vmul.f32 v30, v4;
	v13 =	vld [tilespmem:s17+$0xA040]  }
0x59: {  	v44 =	vld [tilespmem:s17+$0x8080];
	v11 =	vmul.f32 v11, v8;
	v15 =	vmul.f32 v15, v5;
	v12 =	vadd.f32 v12, v14  }
0x5a: {  	v45 =	vld [tilespmem:s17+$0xA080]  }
0x5b: {  	v46 =	vld [tilespmem:s17+$0xC080];
	v11 =	vadd.f32 v36, v11;
	[tilespmem:s17+$0x16020] =	vst v12;
	v12 =	vadd.f32 v16, v15  }
0x5c: {  	v23 =	vld [tilespmem:s17+$0x6090];
	v40 =	vmul.f32 v33, v8;
	v41 =	vmul.f32 v34, v10  }
0x5d: {  	v24 =	vld [tilespmem:s17+$0x8090];
	v17 =	vmul.f32 v35, v4;
	v13 =	vmul.f32 v13, v5;
	v11 =	vadd.f32 v12, v11  }
0x5e: {  	v25 =	vld [tilespmem:s17+$0xA090]  }
0x5f: {  	v26 =	vld [tilespmem:s17+$0xC090];
	v13 =	vadd.f32 v17, v13;
	[tilespmem:s17+$0x16030] =	vst v11;
	v11 =	vadd.f32 v41, v40  }
0x60: {  	v3 =	vld.idx.msk [tilespmem:v22+s10+$0x0], $0xffff  }
0x61: {  	v27 =	vld [tilespmem:s17+$0x60A0];
	v11 =	vadd.f32 v13, v11  }
0x62: {  	v28 =	vld [tilespmem:s17+$0x80A0]  }
0x63: {  	v6 =	vmul.f32 v6, v1;
	[tilespmem:s17+$0x16040] =	vst v11;
	v11 =	vld [tilespmem:s17+$0x6080]  }
0x64: {  	v48 =	vld [tilespmem:s17+$0xA0A0];
	v7 =	vmul.f32 v7, v0;
	v9 =	vmul.f32 v9, v2  }
0x65: {  	v18 =	vmul.f32 v44, v0;
	v14 =	vld [tilespmem:s17+$0x6050];
	v22 =	vmul.f32 v38, v3  }
0x66: {  	v19 =	vmul.f32 v45, v2;
	v21 =	vmul.f32 v37, v10;
	v12 =	vld [tilespmem:s17+$0x6060]  }
0x67: {  	v49 =	vmul.f32 v23, v1;
	v6 =	vadd.f32 v7, v6;
	v7 =	vadd.f32 v22, v9;
	v13 =	vld [tilespmem:s17+$0x6070]  }
0x68: {  	v15 =	vld [tilespmem:s17+$0xA050];
	v22 =	vmul.f32 v46, v3;
	v11 =	vmul.f32 v11, v1  }
0x69: {  	v51 =	vld [tilespmem:s17+$0x60B0];
	v50 =	vmul.f32 v24, v0;
	v52 =	vmul.f32 v25, v2;
	v6 =	vadd.f32 v7, v6  }
0x6a: {  	v20 =	vmul.f32 v42, v10;
	v7 =	vld [tilespmem:s17+$0x8070];
	v47 =	vadd.f32 v22, v19;
	v11 =	vadd.f32 v18, v11  }
0x6b: {  	v53 =	vmul.f32 v26, v3;
	v9 =	vld [tilespmem:s17+$0xC060];
	v14 =	vmul.f32 v14, v8  }
0x6c: {  	v12 =	vmul.f32 v12, v8;
	v8 =	vmul.f32 v13, v8;
	v13 =	vld [tilespmem:s17+$0xC0A0];
	v11 =	vadd.f32 v47, v11  }
0x6d: {  	v16 =	vmul.f32 v39, v4;
	[tilespmem:s17+$0x160F0] =	vst v6;
	v6 =	vld [tilespmem:s17+$0xA070];
	v15 =	vmul.f32 v15, v5  }
0x6e: {  	v58 =	vmul.f32 v43, v5;
	v55 =	vadd.f32 v50, v49;
	v56 =	vadd.f32 v53, v52;
	[tilespmem:s17+$0x16080] =	vst v11;
	v11 =	vld [tilespmem:s17+$0xC070]  }
0x6f: {  	v14 =	vadd.f32 v21, v14;
	v15 =	vadd.f32 v16, v15;
	v7 =	vmul.f32 v7, v10;
	v10 =	vld [tilespmem:s17+$0xC0B0]  }
0x70: {  	v54 =	vld [tilespmem:s17+$0x80B0];
	v59 =	vmul.f32 v27, v1;
	v60 =	vmul.f32 v28, v0;
	v21 =	vadd.f32 v56, v55  }
0x71: {  	v57 =	vld [tilespmem:s17+$0xA0B0];
	v14 =	vadd.f32 v15, v14;
	v15 =	vmul.f32 v48, v2;
	v13 =	vmul.f32 v13, v3  }
0x72: {  	v61 =	vld [tilespmem:s17+$0x60C0];
	v12 =	vadd.f32 v20, v12;
	v5 =	vmul.f32 v6, v5;
	v6 =	vmul.f32 v9, v4  }
0x73: {  	v62 =	vld [tilespmem:s17+$0x80C0];
	v9 =	vadd.f32 v60, v59;
	v4 =	vmul.f32 v11, v4;
	v11 =	vadd.f32 v13, v15  }
0x74: {  	[tilespmem:s17+$0x16050] =	vst v14;
	v63 =	vadd.f32 v7, v8;
	v14 =	vmul.f32 v10, v3;
	v15 =	vld [tilespmem:s17+$0xA0C0];
	v13 =	vadd.f32 v6, v58  }
0x75: {  	v6 =	vld [tilespmem:s17+$0xC0C0];
	v4 =	vadd.f32 v4, v5;
	v5 =	vadd.f32 v11, v9;
	v11 =	vmul.f32 v51, v1  }
0x76: {  	[tilespmem:s17+$0x16090] =	vst v21;
	v7 =	vld [tilespmem:s17+$0x60D0];
	v9 =	vadd.f32 v13, v12;
	v12 =	vmul.f32 v54, v0;
	v13 =	vmul.f32 v57, v2  }
0x77: {  	v8 =	vld [tilespmem:s17+$0x80D0];
	v10 =	vmul.f32 v61, v1;
	v4 =	vadd.f32 v4, v63;
	[tilespmem:s17+$0x160A0] =	vst v5  }
0x78: {  	[tilespmem:s17+$0x16060] =	vst v9;
	v11 =	vadd.f32 v12, v11;
	v5 =	vld [tilespmem:s17+$0xA0D0];
	v13 =	vadd.f32 v14, v13;
	v12 =	vmul.f32 v62, v0  }
0x79: {  	s18 =	simm.s32 $0x0;
	s16 =	sshll.u32 s14, $0x1;
	s15 =	simm.s32 $0x0;
	v9 =	vld [tilespmem:s17+$0xC0D0];
	[tilespmem:s17+$0x16070] =	vst v4;
	v4 =	vmul.f32 v15, v2  }
.LBB2_3:
0x7a: {  	s19 =	sadd.s32 s18, s13;
	v11 =	vadd.f32 v13, v11;
	v10 =	vadd.f32 v12, v10;
	v6 =	vmul.f32 v6, v3;
	v12 =	vld [tilespmem:s17+$0x60E0]  }
0x7b: {  	s20 =	sadd.s32 $0x2, s19;
	s19 =	sadd.s32 $0x3, s19;
	v7 =	vmul.f32 v7, v1;
	v13 =	vld [tilespmem:s17+$0x80E0]  }
0x7c: {  	s18 =	sadd.s32 $0x2, s18;
	s15 =	sadd.s32 $0x400, s15;
	v14 =	vmov s20;
	v15 =	vmov s19;
	[tilespmem:s17+$0x160B0] =	vst v11;
	v8 =	vmul.f32 v8, v0;
	v11 =	vld [tilespmem:s17+$0xA0E0]  }
0x7d: {  	p0 =	slt.u32 s18, $0x3E;
	s19 =	sshra.s32 s15, $0x2;
	v16 =	vor.u32 $0x40, v14;
	v17 =	vor.u32 $0x80, v14;
	v18 =	vor.u32 $0x40, v15;
	v19 =	vld [tilespmem:s17+$0xC0E0]  }
0x7e: {  	v20 =	vor.u32 $0xC0, v14;
	v21 =	vor.u32 $0x80, v15;
	v5 =	vmul.f32 v5, v2;
	v22 =	vld [tilespmem:s19+$0x60F0]  }
0x7f: {  	v23 =	vor.u32 $0xC0, v15;
	v9 =	vmul.f32 v9, v3;
	v24 =	vld [tilespmem:s19+$0x80F0];
	v12 =	vmul.f32 v12, v1  }
0x80: {  	v4 =	vadd.f32 v6, v4;
	v6 =	vadd.f32 v8, v7;
	v25 =	vld [tilespmem:s19+$0xA0F0];
	v7 =	vmul.f32 v13, v0  }
0x81: {  	v5 =	vadd.f32 v9, v5;
	v1 =	vld.idx.msk [tilespmem:v15+s10+$0x0], $0xffff;
	v8 =	vmul.f32 v11, v2  }
0x82: {  	v4 =	vadd.f32 v4, v10;
	v0 =	vld.idx.msk [tilespmem:v18+s10+$0x0], $0xffff;
	v7 =	vadd.f32 v7, v12;
	v9 =	vmul.f32 v19, v3  }
0x83: {  	v5 =	vadd.f32 v5, v6;
	v2 =	vld.idx.msk [tilespmem:v21+s10+$0x0], $0xffff  }
0x84: {  	v3 =	vld.idx.msk [tilespmem:v23+s10+$0x0], $0xffff;
	[tilespmem:s17+$0x160C0] =	vst v4;
	v4 =	vadd.f32 v9, v8  }
0x85: {  	v8 =	vld [tilespmem:s19+$0xC0F0];
	[tilespmem:s17+$0x160D0] =	vst v5  }
0x86: {  	v5 =	vld.idx.msk [tilespmem:v16+s10+$0x0], $0xffff;
	v7 =	vadd.f32 v4, v7  }
0x87: {  	v6 =	vld.idx.msk [tilespmem:v17+s10+$0x0], $0xffff  }
0x88: {  	v4 =	vld.idx.msk [tilespmem:v20+s10+$0x0], $0xffff;
	[tilespmem:s17+$0x160E0] =	vst v7;
	s17 =	smov.u32 s19  }
0x89: {  	v9 =	vmul.f32 v22, v1;
	v10 =	vmul.f32 v24, v0;
	v7 =	vld.idx.msk [tilespmem:v14+s10+$0x0], $0xffff  }
0x8a: {  	v12 =	vmul.f32 v25, v2;
	v11 =	vld [tilespmem:s17+$0x6000];
	v8 =	vmul.f32 v8, v3  }
0x8b: {  	v13 =	vld [tilespmem:s17+$0x8000]  }
0x8c: {  	v9 =	vadd.f32 v10, v9;
	v14 =	vld [tilespmem:s17+$0xA000];
	v8 =	vadd.f32 v8, v12  }
0x8d: {  	v10 =	vld [tilespmem:s17+$0xC000]  }
0x8e: {  	v12 =	vld [tilespmem:s17+$0x6010];
	v8 =	vadd.f32 v8, v9  }
0x8f: {  	v9 =	vmul.f32 v11, v7;
	v11 =	vld [tilespmem:s17+$0x8010]  }
0x90: {  	v13 =	vmul.f32 v13, v5;
	v15 =	vld [tilespmem:s17+$0xA010];
	[tilespmem:s17+$0x160F0] =	vst v8  }
0x91: {  	v8 =	vmul.f32 v14, v6;
	v14 =	vld [tilespmem:s17+$0xC010]  }
0x92: {  	v9 =	vadd.f32 v13, v9;
	v10 =	vmul.f32 v10, v4;
	v13 =	vld [tilespmem:s17+$0x6020]  }
0x93: {  	v12 =	vmul.f32 v12, v7;
	v16 =	vld [tilespmem:s17+$0x8020]  }
0x94: {  	v8 =	vadd.f32 v10, v8;
	v10 =	vmul.f32 v11, v5;
	v11 =	vld [tilespmem:s17+$0xA020]  }
0x95: {  	v15 =	vmul.f32 v15, v6;
	v17 =	vld [tilespmem:s17+$0xC020]  }
0x96: {  	v8 =	vadd.f32 v8, v9;
	v9 =	vadd.f32 v10, v12;
	v10 =	vmul.f32 v14, v4;
	v12 =	vld [tilespmem:s17+$0x6030]  }
0x97: {  	v13 =	vmul.f32 v13, v7;
	v14 =	vld [tilespmem:s17+$0x8030]  }
0x98: {  	[tilespmem:s17+$0x16000] =	vst v8;
	v8 =	vadd.f32 v10, v15;
	v10 =	vmul.f32 v16, v5;
	v15 =	vld [tilespmem:s17+$0xA030]  }
0x99: {  	v11 =	vmul.f32 v11, v6;
	v16 =	vld [tilespmem:s17+$0xC030]  }
0x9a: {  	v8 =	vadd.f32 v8, v9;
	v9 =	vadd.f32 v10, v13;
	v10 =	vmul.f32 v17, v4;
	v13 =	vld [tilespmem:s17+$0x6040]  }
0x9b: {  	v12 =	vmul.f32 v12, v7;
	v17 =	vld [tilespmem:s17+$0x8040]  }
0x9c: {  	[tilespmem:s17+$0x16010] =	vst v8;
	v8 =	vadd.f32 v10, v11;
	v10 =	vmul.f32 v14, v5;
	v11 =	vld [tilespmem:s17+$0xA040]  }
0x9d: {  	v14 =	vmul.f32 v15, v6;
	v15 =	vld [tilespmem:s17+$0xC040]  }
0x9e: {  	v8 =	vadd.f32 v8, v9;
	v9 =	vadd.f32 v10, v12;
	v10 =	vmul.f32 v16, v4;
	v12 =	vld [tilespmem:s17+$0x6050]  }
0x9f: {  	v13 =	vmul.f32 v13, v7;
	v16 =	vld [tilespmem:s17+$0x8050]  }
0xa0: {  	[tilespmem:s17+$0x16020] =	vst v8;
	v8 =	vadd.f32 v10, v14;
	v10 =	vmul.f32 v17, v5;
	v14 =	vld [tilespmem:s17+$0xA050]  }
0xa1: {  	v11 =	vmul.f32 v11, v6;
	v17 =	vld [tilespmem:s17+$0xC050]  }
0xa2: {  	v8 =	vadd.f32 v8, v9;
	v9 =	vadd.f32 v10, v13;
	v10 =	vmul.f32 v15, v4;
	v13 =	vld [tilespmem:s17+$0x6060]  }
0xa3: {  	v12 =	vmul.f32 v12, v7;
	v15 =	vld [tilespmem:s17+$0x8060]  }
0xa4: {  	[tilespmem:s17+$0x16030] =	vst v8;
	v8 =	vadd.f32 v10, v11;
	v10 =	vmul.f32 v16, v5;
	v11 =	vld [tilespmem:s17+$0xA060]  }
0xa5: {  	v14 =	vmul.f32 v14, v6;
	v16 =	vld [tilespmem:s17+$0xC060]  }
0xa6: {  	v8 =	vadd.f32 v8, v9;
	v9 =	vadd.f32 v10, v12;
	v10 =	vmul.f32 v17, v4;
	v12 =	vld [tilespmem:s17+$0x6070]  }
0xa7: {  	v13 =	vmul.f32 v13, v7;
	v17 =	vld [tilespmem:s17+$0x8070]  }
0xa8: {  	[tilespmem:s17+$0x16040] =	vst v8;
	v8 =	vadd.f32 v10, v14;
	v10 =	vmul.f32 v15, v5;
	v14 =	vld [tilespmem:s17+$0xA070]  }
0xa9: {  	v11 =	vmul.f32 v11, v6;
	v15 =	vld [tilespmem:s17+$0xC070]  }
0xaa: {  	v8 =	vadd.f32 v8, v9;
	v9 =	vadd.f32 v10, v13;
	v10 =	vmul.f32 v16, v4;
	v13 =	vld [tilespmem:s17+$0x6080]  }
0xab: {  	v7 =	vmul.f32 v12, v7;
	v12 =	vld [tilespmem:s17+$0x8080]  }
0xac: {  	[tilespmem:s17+$0x16050] =	vst v8;
	v8 =	vadd.f32 v10, v11;
	v5 =	vmul.f32 v17, v5;
	v10 =	vld [tilespmem:s17+$0xA080]  }
0xad: {  	v6 =	vmul.f32 v14, v6;
	v11 =	vld [tilespmem:s17+$0xC080]  }
0xae: {  	v8 =	vadd.f32 v8, v9;
	v5 =	vadd.f32 v5, v7;
	v4 =	vmul.f32 v15, v4;
	v7 =	vld [tilespmem:s17+$0x6090]  }
0xaf: {  	v9 =	vmul.f32 v13, v1;
	v13 =	vld [tilespmem:s17+$0x8090]  }
0xb0: {  	[tilespmem:s17+$0x16060] =	vst v8;
	v4 =	vadd.f32 v4, v6;
	v6 =	vmul.f32 v12, v0;
	v8 =	vld [tilespmem:s17+$0xA090]  }
0xb1: {  	v10 =	vmul.f32 v10, v2;
	v12 =	vld [tilespmem:s17+$0xC090]  }
0xb2: {  	v4 =	vadd.f32 v4, v5;
	v5 =	vadd.f32 v6, v9;
	v6 =	vmul.f32 v11, v3;
	v9 =	vld [tilespmem:s17+$0x60A0]  }
0xb3: {  	v7 =	vmul.f32 v7, v1;
	v11 =	vld [tilespmem:s17+$0x80A0]  }
0xb4: {  	[tilespmem:s17+$0x16070] =	vst v4;
	v4 =	vadd.f32 v6, v10;
	v6 =	vmul.f32 v13, v0;
	v10 =	vld [tilespmem:s17+$0xA0A0]  }
0xb5: {  	v8 =	vmul.f32 v8, v2;
	v13 =	vld [tilespmem:s17+$0xC0A0]  }
0xb6: {  	v4 =	vadd.f32 v4, v5;
	v5 =	vadd.f32 v6, v7;
	v6 =	vmul.f32 v12, v3;
	v7 =	vld [tilespmem:s17+$0x60B0]  }
0xb7: {  	v9 =	vmul.f32 v9, v1;
	v12 =	vld [tilespmem:s17+$0x80B0]  }
0xb8: {  	[tilespmem:s17+$0x16080] =	vst v4;
	v4 =	vadd.f32 v6, v8;
	v6 =	vmul.f32 v11, v0;
	v8 =	vld [tilespmem:s17+$0xA0B0]  }
0xb9: {  	v10 =	vmul.f32 v10, v2;
	v14 =	vld [tilespmem:s17+$0xC0B0]  }
0xba: {  	v4 =	vadd.f32 v4, v5;
	v5 =	vadd.f32 v6, v9;
	v6 =	vmul.f32 v13, v3;
	v9 =	vld [tilespmem:s17+$0x60C0]  }
0xbb: {  	v7 =	vmul.f32 v7, v1;
	v15 =	vld [tilespmem:s17+$0x80C0]  }
0xbc: {  	[tilespmem:s17+$0x16090] =	vst v4;
	v4 =	vadd.f32 v6, v10;
	v10 =	vmul.f32 v12, v0;
	v16 =	vld [tilespmem:s17+$0xA0C0]  }
.Ltmp0:
0xbd: {  	v12 =	vmul.f32 v8, v2;
	v6 =	vld [tilespmem:s17+$0xC0C0];
	(pc) =	sbr.rel @p0 .LBB2_3-.Ltmp0, $4  }
0xbe: {  	v4 =	vadd.f32 v4, v5;
	v11 =	vadd.f32 v10, v7;
	v5 =	vmul.f32 v14, v3;
	v7 =	vld [tilespmem:s17+$0x60D0]  }
0xbf: {  	v10 =	vmul.f32 v9, v1;
	v8 =	vld [tilespmem:s17+$0x80D0]  }
0xc0: {  	[tilespmem:s17+$0x160A0] =	vst v4;
	v13 =	vadd.f32 v5, v12;
	v12 =	vmul.f32 v15, v0;
	v5 =	vld [tilespmem:s17+$0xA0D0]  }
0xc1: {  	v4 =	vmul.f32 v16, v2;
	v9 =	vld [tilespmem:s17+$0xC0D0]  }
0xc2: {  	v11 =	vadd.f32 v13, v11;
	v13 =	vld [tilespmem:s17+$0x60E0]  }
0xc3: {  	v14 =	vld [tilespmem:s17+$0x80E0]  }
0xc4: {  	v15 =	vld [tilespmem:s17+$0xC0E0]  }
0xc5: {  	[tilespmem:s17+$0x160B0] =	vst v11;
	v11 =	vld [tilespmem:s17+$0xA0E0]  }
0xc6: {  	v6 =	vmul.f32 v6, v3  }
0xc7: {  	v7 =	vmul.f32 v7, v1;
	v8 =	vmul.f32 v8, v0  }
0xc8: {  	v10 =	vadd.f32 v12, v10;
	v5 =	vmul.f32 v5, v2;
	v9 =	vmul.f32 v9, v3  }
0xc9: {  	v4 =	vadd.f32 v6, v4;
	v1 =	vmul.f32 v13, v1;
	v0 =	vmul.f32 v14, v0  }
0xca: {  	v6 =	vadd.f32 v8, v7;
	v3 =	vmul.f32 v15, v3;
	v2 =	vmul.f32 v11, v2  }
0xcb: {  	v4 =	vadd.f32 v4, v10;
	v5 =	vadd.f32 v9, v5  }
0xcc: {  	v0 =	vadd.f32 v0, v1;
	v1 =	vadd.f32 v3, v2  }
0xcd: {  	p0 =	seq.s32 s14, $0xF;
	v2 =	vadd.f32 v5, v6  }
0xce: {  	s15 =	sshll.u32 @!p0 s14, $0xA;
	[tilespmem:s17+$0x160C0] =	vst v4;
	v0 =	vadd.f32 v1, v0  }
0xcf: {  	s15 =	sand.u32 @!p0 $0x3FFFFC00, s15;
	[tilespmem:s17+$0x160D0] =	vst v2  }
0xd0: {  	s18 =	simm.s32 @!p0 $0x40;
	s19 =	simm.s32 @!p0 $0x6000;
	[tilespmem:s17+$0x160E0] =	vst v0;
	s17 =	sadd.s32 @!p0 $0x400, s15  }
0xd1: {  	[tilespmem:s19], [sflag:$0x1] =	stream.indirect.gather @!p0 [hbm4b:s4+s18], $0x80, s17, s18, $0xb8;
	[tilespmem:$0x1A000] =	vst v63  }
0xd2: {  	s17 =	sadd.s32 @!p0 $0x480, s15;
	s19 =	simm.s32 @!p0 $0x8000  }
0xd3: {  	[tilespmem:s19], [sflag:$0x1] =	stream.indirect.gather @!p0 [hbm4b:s4+s18], $0x80, s17, s18, $0xb8;
	[tilespmem:$0x1A000] =	vst v63  }
0xd4: {  	s17 =	sadd.s32 @!p0 $0x500, s15;
	s19 =	simm.s32 @!p0 $0xA000  }
0xd5: {  	[tilespmem:s19], [sflag:$0x1] =	stream.indirect.gather @!p0 [hbm4b:s4+s18], $0x80, s17, s18, $0xb8;
	[tilespmem:$0x1A000] =	vst v63  }
0xd6: {  	s17 =	sadd.s32 @!p0 $0x580, s15;
	s19 =	simm.s32 @!p0 $0xC000  }
0xd7: {  	[tilespmem:s19], [sflag:$0x1] =	stream.indirect.gather @!p0 [hbm4b:s4+s18], $0x80, s17, s18, $0xb8;
	[tilespmem:$0x1A000] =	vst v63  }
0xd8: {  	s19 =	sadd.s32 s5, s16  }
0xd9: {  	s17 =	sshll.u32 s19, $0xA  }
0xda: {  	s17 =	sadd.s32 s2, s17  }
0xdb: {  	[hbm4b:s17+s3] =	stream.linear.scatter [tilespmem:s29], [sflag:$0x3], $0x2000, $0x38;
	[tilespmem:$0x1A000] =	vst v63  }
0xdc: {  	s17 =	simm.s32 @!p1 $0x4  }
0xdd: {  	_ =	swait.ge @!p1 [sflag:s17], $0x2000  }
0xde: {  	[sflag:s17] =	ssyncset.done @!p1 $0x0  }
0xdf: {  	[sflag:s17] =	ssyncadd.s32 @!p1 $0xFFFFE000  }
0xe0: {  	_ =	swait.ge [sflag:s30], $0x2000  }
0xe1: {  	[sflag:s30] =	ssyncset.done $0x0  }
0xe2: {  	[sflag:s30] =	ssyncadd.s32 $0xFFFFE000  }
0xe3: {  	_ =	swait.ge [sflag:s30], $0x2000  }
0xe4: {  	[sflag:s30] =	ssyncset.done $0x0  }
0xe5: {  	[sflag:s30] =	ssyncadd.s32 $0xFFFFE000  }
0xe6: {  	_ =	swait.ge [sflag:s30], $0x2000  }
0xe7: {  	[sflag:s30] =	ssyncset.done $0x0  }
0xe8: {  	s20 =	sadd.s32 $0xFFFFFFFE, s13;
	[sflag:s30] =	ssyncadd.s32 $0xFFFFE000  }
0xe9: {  	s21 =	sadd.s32 $0x103, s20;
	_ =	swait.ge [sflag:s30], $0x2000  }
0xea: {  	v2 =	vmov s21;
	s17 =	sadd.s32 $0x102, s20;
	[sflag:s30] =	ssyncset.done $0x0  }
0xeb: {  	v0 =	vor.u32 $0x40, v2;
	v3 =	vmov s17;
	s17 =	simm.s32 $0x0;
	[sflag:s30] =	ssyncadd.s32 $0xFFFFE000  }
0xec: {  	v4 =	vor.u32 $0x40, v3;
	v6 =	vld [tilespmem:s17+$0xE0F0]  }
0xed: {  	v5 =	vor.u32 $0x80, v3;
	v7 =	vld [tilespmem:s17+$0x100F0]  }
0xee: {  	v8 =	vor.u32 $0xC0, v3;
	v9 =	vld [tilespmem:s17+$0x120F0]  }
0xef: {  	v1 =	vld.idx.msk [tilespmem:v2+s10+$0x0], $0xffff  }
0xf0: {  	v0 =	vld.idx.msk [tilespmem:v0+s10+$0x0], $0xffff  }
0xf1: {  	v10 =	vld.idx.msk [tilespmem:v4+s10+$0x0], $0xffff  }
0xf2: {  	v5 =	vld.idx.msk [tilespmem:v5+s10+$0x0], $0xffff  }
0xf3: {  	v4 =	vld.idx.msk [tilespmem:v8+s10+$0x0], $0xffff  }
0xf4: {  	v8 =	vld.idx.msk [tilespmem:v3+s10+$0x0], $0xffff  }
0xf5: {  	v3 =	vld [tilespmem:s17+$0xE000]  }
0xf6: {  	v11 =	vld [tilespmem:s17+$0x10000]  }
0xf7: {  	v12 =	vld [tilespmem:s17+$0x12000]  }
0xf8: {  	v13 =	vld [tilespmem:s17+$0x14000]  }
0xf9: {  	v14 =	vld [tilespmem:s17+$0xE010]  }
0xfa: {  	v15 =	vld [tilespmem:s17+$0x10010]  }
0xfb: {  	v19 =	vor.u32 $0x80, v2;
	v16 =	vld [tilespmem:s17+$0x12010]  }
0xfc: {  	v17 =	vld [tilespmem:s17+$0x14010]  }
0xfd: {  	v18 =	vld [tilespmem:s17+$0xE020]  }
0xfe: {  	v20 =	vld [tilespmem:s17+$0x10020]  }
0xff: {  	v21 =	vld [tilespmem:s17+$0x10030]  }
0x100: {  	v22 =	vor.u32 $0xC0, v2;
	v2 =	vld.idx.msk [tilespmem:v19+s10+$0x0], $0xffff  }
0x101: {  	v30 =	vld [tilespmem:s17+$0x14030]  }
0x102: {  	v33 =	vld [tilespmem:s17+$0xE040];
	v3 =	vmul.f32 v3, v8;
	v11 =	vmul.f32 v11, v10  }
0x103: {  	v34 =	vld [tilespmem:s17+$0x10040];
	v12 =	vmul.f32 v12, v5;
	v13 =	vmul.f32 v13, v4  }
0x104: {  	v35 =	vld [tilespmem:s17+$0x14040]  }
0x105: {  	v3 =	vadd.f32 v11, v3;
	v11 =	vadd.f32 v13, v12;
	v12 =	vld [tilespmem:s17+$0x12020]  }
0x106: {  	v14 =	vmul.f32 v14, v8;
	v15 =	vmul.f32 v15, v10;
	v13 =	vld [tilespmem:s17+$0x14020]  }
0x107: {  	v37 =	vld [tilespmem:s17+$0x10050];
	v16 =	vmul.f32 v16, v5;
	v17 =	vmul.f32 v17, v4;
	v3 =	vadd.f32 v11, v3  }
0x108: {  	v38 =	vld [tilespmem:s17+$0x140F0]  }
0x109: {  	v11 =	vld [tilespmem:s17+$0xE030];
	[tilespmem:s17+$0x18000] =	vst v3;
	v3 =	vadd.f32 v15, v14;
	v14 =	vadd.f32 v17, v16  }
0x10a: {  	v31 =	vmul.f32 v18, v8;
	v32 =	vmul.f32 v20, v10;
	v15 =	vld [tilespmem:s17+$0x12030]  }
0x10b: {  	v39 =	vld [tilespmem:s17+$0x14050];
	v12 =	vmul.f32 v12, v5;
	v13 =	vmul.f32 v13, v4;
	v14 =	vadd.f32 v14, v3  }
0x10c: {  	v42 =	vld [tilespmem:s17+$0x10060]  }
0x10d: {  	v43 =	vld [tilespmem:s17+$0x12060];
	v12 =	vadd.f32 v13, v12;
	[tilespmem:s17+$0x18010] =	vst v14;
	v14 =	vadd.f32 v32, v31  }
0x10e: {  	v36 =	vmul.f32 v21, v10;
	v16 =	vmul.f32 v30, v4;
	v13 =	vld [tilespmem:s17+$0x12040]  }
0x10f: {  	v44 =	vld [tilespmem:s17+$0x10080];
	v11 =	vmul.f32 v11, v8;
	v15 =	vmul.f32 v15, v5;
	v12 =	vadd.f32 v12, v14  }
0x110: {  	v45 =	vld [tilespmem:s17+$0x12080]  }
0x111: {  	v46 =	vld [tilespmem:s17+$0x14080];
	v11 =	vadd.f32 v36, v11;
	[tilespmem:s17+$0x18020] =	vst v12;
	v12 =	vadd.f32 v16, v15  }
0x112: {  	v23 =	vld [tilespmem:s17+$0xE090];
	v40 =	vmul.f32 v33, v8;
	v41 =	vmul.f32 v34, v10  }
0x113: {  	v24 =	vld [tilespmem:s17+$0x10090];
	v17 =	vmul.f32 v35, v4;
	v13 =	vmul.f32 v13, v5;
	v11 =	vadd.f32 v12, v11  }
0x114: {  	v25 =	vld [tilespmem:s17+$0x12090]  }
0x115: {  	v26 =	vld [tilespmem:s17+$0x14090];
	v13 =	vadd.f32 v17, v13;
	[tilespmem:s17+$0x18030] =	vst v11;
	v11 =	vadd.f32 v41, v40  }
0x116: {  	v3 =	vld.idx.msk [tilespmem:v22+s10+$0x0], $0xffff  }
0x117: {  	v27 =	vld [tilespmem:s17+$0xE0A0];
	v11 =	vadd.f32 v13, v11  }
0x118: {  	v28 =	vld [tilespmem:s17+$0x100A0]  }
0x119: {  	v6 =	vmul.f32 v6, v1;
	[tilespmem:s17+$0x18040] =	vst v11;
	v11 =	vld [tilespmem:s17+$0xE080]  }
0x11a: {  	v48 =	vld [tilespmem:s17+$0x120A0];
	v7 =	vmul.f32 v7, v0;
	v9 =	vmul.f32 v9, v2  }
0x11b: {  	v18 =	vmul.f32 v44, v0;
	v14 =	vld [tilespmem:s17+$0xE050];
	v22 =	vmul.f32 v38, v3  }
0x11c: {  	v19 =	vmul.f32 v45, v2;
	v21 =	vmul.f32 v37, v10;
	v12 =	vld [tilespmem:s17+$0xE060]  }
0x11d: {  	v49 =	vmul.f32 v23, v1;
	v6 =	vadd.f32 v7, v6;
	v7 =	vadd.f32 v22, v9;
	v13 =	vld [tilespmem:s17+$0xE070]  }
0x11e: {  	v15 =	vld [tilespmem:s17+$0x12050];
	v22 =	vmul.f32 v46, v3;
	v11 =	vmul.f32 v11, v1  }
0x11f: {  	v51 =	vld [tilespmem:s17+$0xE0B0];
	v50 =	vmul.f32 v24, v0;
	v52 =	vmul.f32 v25, v2;
	v6 =	vadd.f32 v7, v6  }
0x120: {  	v20 =	vmul.f32 v42, v10;
	v7 =	vld [tilespmem:s17+$0x10070];
	v47 =	vadd.f32 v22, v19;
	v11 =	vadd.f32 v18, v11  }
0x121: {  	v53 =	vmul.f32 v26, v3;
	v9 =	vld [tilespmem:s17+$0x14060];
	v14 =	vmul.f32 v14, v8  }
0x122: {  	v12 =	vmul.f32 v12, v8;
	v8 =	vmul.f32 v13, v8;
	v13 =	vld [tilespmem:s17+$0x140A0];
	v11 =	vadd.f32 v47, v11  }
0x123: {  	v16 =	vmul.f32 v39, v4;
	[tilespmem:s17+$0x180F0] =	vst v6;
	v6 =	vld [tilespmem:s17+$0x12070];
	v15 =	vmul.f32 v15, v5  }
0x124: {  	v58 =	vmul.f32 v43, v5;
	v55 =	vadd.f32 v50, v49;
	v56 =	vadd.f32 v53, v52;
	[tilespmem:s17+$0x18080] =	vst v11;
	v11 =	vld [tilespmem:s17+$0x14070]  }
0x125: {  	v14 =	vadd.f32 v21, v14;
	v15 =	vadd.f32 v16, v15;
	v7 =	vmul.f32 v7, v10;
	v10 =	vld [tilespmem:s17+$0x140B0]  }
0x126: {  	v54 =	vld [tilespmem:s17+$0x100B0];
	v59 =	vmul.f32 v27, v1;
	v60 =	vmul.f32 v28, v0;
	v21 =	vadd.f32 v56, v55  }
0x127: {  	v57 =	vld [tilespmem:s17+$0x120B0];
	v14 =	vadd.f32 v15, v14;
	v15 =	vmul.f32 v48, v2;
	v13 =	vmul.f32 v13, v3  }
0x128: {  	v61 =	vld [tilespmem:s17+$0xE0C0];
	v12 =	vadd.f32 v20, v12;
	v5 =	vmul.f32 v6, v5;
	v6 =	vmul.f32 v9, v4  }
0x129: {  	v62 =	vld [tilespmem:s17+$0x100C0];
	v9 =	vadd.f32 v60, v59;
	v4 =	vmul.f32 v11, v4;
	v11 =	vadd.f32 v13, v15  }
0x12a: {  	[tilespmem:s17+$0x18050] =	vst v14;
	v63 =	vadd.f32 v7, v8;
	v14 =	vmul.f32 v10, v3;
	v15 =	vld [tilespmem:s17+$0x120C0];
	v13 =	vadd.f32 v6, v58  }
0x12b: {  	v6 =	vld [tilespmem:s17+$0x140C0];
	v4 =	vadd.f32 v4, v5;
	v5 =	vadd.f32 v11, v9;
	v11 =	vmul.f32 v51, v1  }
0x12c: {  	[tilespmem:s17+$0x18090] =	vst v21;
	v7 =	vld [tilespmem:s17+$0xE0D0];
	v9 =	vadd.f32 v13, v12;
	v12 =	vmul.f32 v54, v0;
	v13 =	vmul.f32 v57, v2  }
0x12d: {  	v8 =	vld [tilespmem:s17+$0x100D0];
	v10 =	vmul.f32 v61, v1;
	v4 =	vadd.f32 v4, v63;
	[tilespmem:s17+$0x180A0] =	vst v5  }
0x12e: {  	[tilespmem:s17+$0x18060] =	vst v9;
	v11 =	vadd.f32 v12, v11;
	v5 =	vld [tilespmem:s17+$0x120D0];
	v13 =	vadd.f32 v14, v13;
	v12 =	vmul.f32 v62, v0  }
0x12f: {  	s16 =	sor.u32 $0x1, s16;
	s18 =	simm.s32 $0x0;
	s19 =	simm.s32 $0x0;
	v9 =	vld [tilespmem:s17+$0x140D0];
	[tilespmem:s17+$0x18070] =	vst v4;
	v4 =	vmul.f32 v15, v2  }
.LBB2_5:
0x130: {  	s20 =	sadd.s32 s19, s13;
	v11 =	vadd.f32 v13, v11;
	v10 =	vadd.f32 v12, v10;
	v6 =	vmul.f32 v6, v3;
	v12 =	vld [tilespmem:s17+$0xE0E0]  }
0x131: {  	s21 =	sadd.s32 $0x102, s20;
	s20 =	sadd.s32 $0x103, s20;
	v7 =	vmul.f32 v7, v1;
	v13 =	vld [tilespmem:s17+$0x100E0]  }
0x132: {  	s19 =	sadd.s32 $0x2, s19;
	s18 =	sadd.s32 $0x400, s18;
	v14 =	vmov s21;
	v15 =	vmov s20;
	[tilespmem:s17+$0x180B0] =	vst v11;
	v8 =	vmul.f32 v8, v0;
	v11 =	vld [tilespmem:s17+$0x120E0]  }
0x133: {  	p1 =	slt.u32 s19, $0x3E;
	s20 =	sshra.s32 s18, $0x2;
	v16 =	vor.u32 $0x40, v14;
	v17 =	vor.u32 $0x80, v14;
	v18 =	vor.u32 $0x40, v15;
	v19 =	vld [tilespmem:s17+$0x140E0]  }
0x134: {  	v20 =	vor.u32 $0xC0, v14;
	v21 =	vor.u32 $0x80, v15;
	v5 =	vmul.f32 v5, v2;
	v22 =	vld [tilespmem:s20+$0xE0F0]  }
0x135: {  	v23 =	vor.u32 $0xC0, v15;
	v9 =	vmul.f32 v9, v3;
	v24 =	vld [tilespmem:s20+$0x100F0];
	v12 =	vmul.f32 v12, v1  }
0x136: {  	v4 =	vadd.f32 v6, v4;
	v6 =	vadd.f32 v8, v7;
	v25 =	vld [tilespmem:s20+$0x120F0];
	v7 =	vmul.f32 v13, v0  }
0x137: {  	v5 =	vadd.f32 v9, v5;
	v1 =	vld.idx.msk [tilespmem:v15+s10+$0x0], $0xffff;
	v8 =	vmul.f32 v11, v2  }
0x138: {  	v4 =	vadd.f32 v4, v10;
	v0 =	vld.idx.msk [tilespmem:v18+s10+$0x0], $0xffff;
	v7 =	vadd.f32 v7, v12;
	v9 =	vmul.f32 v19, v3  }
0x139: {  	v5 =	vadd.f32 v5, v6;
	v2 =	vld.idx.msk [tilespmem:v21+s10+$0x0], $0xffff  }
0x13a: {  	v3 =	vld.idx.msk [tilespmem:v23+s10+$0x0], $0xffff;
	[tilespmem:s17+$0x180C0] =	vst v4;
	v4 =	vadd.f32 v9, v8  }
0x13b: {  	v8 =	vld [tilespmem:s20+$0x140F0];
	[tilespmem:s17+$0x180D0] =	vst v5  }
0x13c: {  	v5 =	vld.idx.msk [tilespmem:v16+s10+$0x0], $0xffff;
	v7 =	vadd.f32 v4, v7  }
0x13d: {  	v6 =	vld.idx.msk [tilespmem:v17+s10+$0x0], $0xffff  }
0x13e: {  	v4 =	vld.idx.msk [tilespmem:v20+s10+$0x0], $0xffff;
	[tilespmem:s17+$0x180E0] =	vst v7;
	s17 =	smov.u32 s20  }
0x13f: {  	v9 =	vmul.f32 v22, v1;
	v10 =	vmul.f32 v24, v0;
	v7 =	vld.idx.msk [tilespmem:v14+s10+$0x0], $0xffff  }
0x140: {  	v12 =	vmul.f32 v25, v2;
	v11 =	vld [tilespmem:s17+$0xE000];
	v8 =	vmul.f32 v8, v3  }
0x141: {  	v13 =	vld [tilespmem:s17+$0x10000]  }
0x142: {  	v9 =	vadd.f32 v10, v9;
	v14 =	vld [tilespmem:s17+$0x12000];
	v8 =	vadd.f32 v8, v12  }
0x143: {  	v10 =	vld [tilespmem:s17+$0x14000]  }
0x144: {  	v12 =	vld [tilespmem:s17+$0xE010];
	v8 =	vadd.f32 v8, v9  }
0x145: {  	v9 =	vmul.f32 v11, v7;
	v11 =	vld [tilespmem:s17+$0x10010]  }
0x146: {  	v13 =	vmul.f32 v13, v5;
	v15 =	vld [tilespmem:s17+$0x12010];
	[tilespmem:s17+$0x180F0] =	vst v8  }
0x147: {  	v8 =	vmul.f32 v14, v6;
	v14 =	vld [tilespmem:s17+$0x14010]  }
0x148: {  	v9 =	vadd.f32 v13, v9;
	v10 =	vmul.f32 v10, v4;
	v13 =	vld [tilespmem:s17+$0xE020]  }
0x149: {  	v12 =	vmul.f32 v12, v7;
	v16 =	vld [tilespmem:s17+$0x10020]  }
0x14a: {  	v8 =	vadd.f32 v10, v8;
	v10 =	vmul.f32 v11, v5;
	v11 =	vld [tilespmem:s17+$0x12020]  }
0x14b: {  	v15 =	vmul.f32 v15, v6;
	v17 =	vld [tilespmem:s17+$0x14020]  }
0x14c: {  	v8 =	vadd.f32 v8, v9;
	v9 =	vadd.f32 v10, v12;
	v10 =	vmul.f32 v14, v4;
	v12 =	vld [tilespmem:s17+$0xE030]  }
0x14d: {  	v13 =	vmul.f32 v13, v7;
	v14 =	vld [tilespmem:s17+$0x10030]  }
0x14e: {  	[tilespmem:s17+$0x18000] =	vst v8;
	v8 =	vadd.f32 v10, v15;
	v10 =	vmul.f32 v16, v5;
	v15 =	vld [tilespmem:s17+$0x12030]  }
0x14f: {  	v11 =	vmul.f32 v11, v6;
	v16 =	vld [tilespmem:s17+$0x14030]  }
0x150: {  	v8 =	vadd.f32 v8, v9;
	v9 =	vadd.f32 v10, v13;
	v10 =	vmul.f32 v17, v4;
	v13 =	vld [tilespmem:s17+$0xE040]  }
0x151: {  	v12 =	vmul.f32 v12, v7;
	v17 =	vld [tilespmem:s17+$0x10040]  }
0x152: {  	[tilespmem:s17+$0x18010] =	vst v8;
	v8 =	vadd.f32 v10, v11;
	v10 =	vmul.f32 v14, v5;
	v11 =	vld [tilespmem:s17+$0x12040]  }
0x153: {  	v14 =	vmul.f32 v15, v6;
	v15 =	vld [tilespmem:s17+$0x14040]  }
0x154: {  	v8 =	vadd.f32 v8, v9;
	v9 =	vadd.f32 v10, v12;
	v10 =	vmul.f32 v16, v4;
	v12 =	vld [tilespmem:s17+$0xE050]  }
0x155: {  	v13 =	vmul.f32 v13, v7;
	v16 =	vld [tilespmem:s17+$0x10050]  }
0x156: {  	[tilespmem:s17+$0x18020] =	vst v8;
	v8 =	vadd.f32 v10, v14;
	v10 =	vmul.f32 v17, v5;
	v14 =	vld [tilespmem:s17+$0x12050]  }
0x157: {  	v11 =	vmul.f32 v11, v6;
	v17 =	vld [tilespmem:s17+$0x14050]  }
0x158: {  	v8 =	vadd.f32 v8, v9;
	v9 =	vadd.f32 v10, v13;
	v10 =	vmul.f32 v15, v4;
	v13 =	vld [tilespmem:s17+$0xE060]  }
0x159: {  	v12 =	vmul.f32 v12, v7;
	v15 =	vld [tilespmem:s17+$0x10060]  }
0x15a: {  	[tilespmem:s17+$0x18030] =	vst v8;
	v8 =	vadd.f32 v10, v11;
	v10 =	vmul.f32 v16, v5;
	v11 =	vld [tilespmem:s17+$0x12060]  }
0x15b: {  	v14 =	vmul.f32 v14, v6;
	v16 =	vld [tilespmem:s17+$0x14060]  }
0x15c: {  	v8 =	vadd.f32 v8, v9;
	v9 =	vadd.f32 v10, v12;
	v10 =	vmul.f32 v17, v4;
	v12 =	vld [tilespmem:s17+$0xE070]  }
0x15d: {  	v13 =	vmul.f32 v13, v7;
	v17 =	vld [tilespmem:s17+$0x10070]  }
0x15e: {  	[tilespmem:s17+$0x18040] =	vst v8;
	v8 =	vadd.f32 v10, v14;
	v10 =	vmul.f32 v15, v5;
	v14 =	vld [tilespmem:s17+$0x12070]  }
0x15f: {  	v11 =	vmul.f32 v11, v6;
	v15 =	vld [tilespmem:s17+$0x14070]  }
0x160: {  	v8 =	vadd.f32 v8, v9;
	v9 =	vadd.f32 v10, v13;
	v10 =	vmul.f32 v16, v4;
	v13 =	vld [tilespmem:s17+$0xE080]  }
0x161: {  	v7 =	vmul.f32 v12, v7;
	v12 =	vld [tilespmem:s17+$0x10080]  }
0x162: {  	[tilespmem:s17+$0x18050] =	vst v8;
	v8 =	vadd.f32 v10, v11;
	v5 =	vmul.f32 v17, v5;
	v10 =	vld [tilespmem:s17+$0x12080]  }
0x163: {  	v6 =	vmul.f32 v14, v6;
	v11 =	vld [tilespmem:s17+$0x14080]  }
0x164: {  	v8 =	vadd.f32 v8, v9;
	v5 =	vadd.f32 v5, v7;
	v4 =	vmul.f32 v15, v4;
	v7 =	vld [tilespmem:s17+$0xE090]  }
0x165: {  	v9 =	vmul.f32 v13, v1;
	v13 =	vld [tilespmem:s17+$0x10090]  }
0x166: {  	[tilespmem:s17+$0x18060] =	vst v8;
	v4 =	vadd.f32 v4, v6;
	v6 =	vmul.f32 v12, v0;
	v8 =	vld [tilespmem:s17+$0x12090]  }
0x167: {  	v10 =	vmul.f32 v10, v2;
	v12 =	vld [tilespmem:s17+$0x14090]  }
0x168: {  	v4 =	vadd.f32 v4, v5;
	v5 =	vadd.f32 v6, v9;
	v6 =	vmul.f32 v11, v3;
	v9 =	vld [tilespmem:s17+$0xE0A0]  }
0x169: {  	v7 =	vmul.f32 v7, v1;
	v11 =	vld [tilespmem:s17+$0x100A0]  }
0x16a: {  	[tilespmem:s17+$0x18070] =	vst v4;
	v4 =	vadd.f32 v6, v10;
	v6 =	vmul.f32 v13, v0;
	v10 =	vld [tilespmem:s17+$0x120A0]  }
0x16b: {  	v8 =	vmul.f32 v8, v2;
	v13 =	vld [tilespmem:s17+$0x140A0]  }
0x16c: {  	v4 =	vadd.f32 v4, v5;
	v5 =	vadd.f32 v6, v7;
	v6 =	vmul.f32 v12, v3;
	v7 =	vld [tilespmem:s17+$0xE0B0]  }
0x16d: {  	v9 =	vmul.f32 v9, v1;
	v12 =	vld [tilespmem:s17+$0x100B0]  }
0x16e: {  	[tilespmem:s17+$0x18080] =	vst v4;
	v4 =	vadd.f32 v6, v8;
	v6 =	vmul.f32 v11, v0;
	v8 =	vld [tilespmem:s17+$0x120B0]  }
0x16f: {  	v10 =	vmul.f32 v10, v2;
	v14 =	vld [tilespmem:s17+$0x140B0]  }
0x170: {  	v4 =	vadd.f32 v4, v5;
	v5 =	vadd.f32 v6, v9;
	v6 =	vmul.f32 v13, v3;
	v9 =	vld [tilespmem:s17+$0xE0C0]  }
0x171: {  	v7 =	vmul.f32 v7, v1;
	v15 =	vld [tilespmem:s17+$0x100C0]  }
0x172: {  	[tilespmem:s17+$0x18090] =	vst v4;
	v4 =	vadd.f32 v6, v10;
	v10 =	vmul.f32 v12, v0;
	v16 =	vld [tilespmem:s17+$0x120C0]  }
.Ltmp1:
0x173: {  	v12 =	vmul.f32 v8, v2;
	v6 =	vld [tilespmem:s17+$0x140C0];
	(pc) =	sbr.rel @p1 .LBB2_5-.Ltmp1, $4  }
0x174: {  	v4 =	vadd.f32 v4, v5;
	v11 =	vadd.f32 v10, v7;
	v5 =	vmul.f32 v14, v3;
	v7 =	vld [tilespmem:s17+$0xE0D0]  }
0x175: {  	v10 =	vmul.f32 v9, v1;
	v8 =	vld [tilespmem:s17+$0x100D0]  }
0x176: {  	[tilespmem:s17+$0x180A0] =	vst v4;
	v13 =	vadd.f32 v5, v12;
	v12 =	vmul.f32 v15, v0;
	v5 =	vld [tilespmem:s17+$0x120D0]  }
0x177: {  	v4 =	vmul.f32 v16, v2;
	v9 =	vld [tilespmem:s17+$0x140D0]  }
0x178: {  	v55 =	vld [tilespmem:s17+$0xE0E0]  }
0x179: {  	v14 =	vld [tilespmem:s17+$0x100E0]  }
0x17a: {  	v56 =	vld [tilespmem:s17+$0x120E0]  }
0x17b: {  	v15 =	vld [tilespmem:s17+$0x140E0]  }
0x17c: {  	v6 =	vmul.f32 v6, v3  }
0x17d: {  	v11 =	vadd.f32 v13, v11;
	v7 =	vmul.f32 v7, v1;
	v8 =	vmul.f32 v8, v0  }
0x17e: {  	v10 =	vadd.f32 v12, v10;
	v5 =	vmul.f32 v5, v2;
	v9 =	vmul.f32 v9, v3  }
0x17f: {  	v4 =	vadd.f32 v6, v4;
	v57 =	vmul.f32 v55, v1;
	v58 =	vmul.f32 v14, v0  }
0x180: {  	v59 =	vadd.f32 v8, v7;
	v60 =	vmul.f32 v56, v2;
	v61 =	vmul.f32 v15, v3  }
0x181: {  	v4 =	vadd.f32 v4, v10;
	v5 =	vadd.f32 v9, v5  }
0x182: {  	v0 =	vadd.f32 v58, v57;
	v62 =	vadd.f32 v61, v60  }
0x183: {  	[tilespmem:s17+$0x180B0] =	vst v11;
	v63 =	vadd.f32 v5, v59  }
0x184: {  	[tilespmem:s17+$0x180C0] =	vst v4;
	v0 =	vadd.f32 v62, v0  }
0x185: {  	[tilespmem:s17+$0x180D0] =	vst v63  }
0x186: {  	s18 =	simm.s32 @!p0 $0x40;
	s19 =	simm.s32 @!p0 $0xE000;
	[tilespmem:s17+$0x180E0] =	vst v0;
	s17 =	sadd.s32 @!p0 $0x600, s15  }
0x187: {  	[tilespmem:s19], [sflag:$0x2] =	stream.indirect.gather @!p0 [hbm4b:s4+s18], $0x80, s17, s18, $0xb8;
	[tilespmem:$0x1A000] =	vst v63  }
0x188: {  	s17 =	sadd.s32 @!p0 $0x680, s15;
	s19 =	simm.s32 @!p0 $0x10000  }
0x189: {  	[tilespmem:s19], [sflag:$0x2] =	stream.indirect.gather @!p0 [hbm4b:s4+s18], $0x80, s17, s18, $0xb8;
	[tilespmem:$0x1A000] =	vst v63  }
0x18a: {  	s17 =	sadd.s32 @!p0 $0x700, s15;
	s19 =	simm.s32 @!p0 $0x12000  }
0x18b: {  	[tilespmem:s19], [sflag:$0x2] =	stream.indirect.gather @!p0 [hbm4b:s4+s18], $0x80, s17, s18, $0xb8;
	[tilespmem:$0x1A000] =	vst v63  }
0x18c: {  	s14 =	sadd.s32 $0x1, s14;
	s15 =	sadd.s32 @!p0 $0x780, s15;
	s17 =	simm.s32 @!p0 $0x14000  }
0x18d: {  	[tilespmem:s17], [sflag:$0x2] =	stream.indirect.gather @!p0 [hbm4b:s4+s18], $0x80, s15, s18, $0xb8;
	[tilespmem:$0x1A000] =	vst v63  }
0x18e: {  	p0 =	sne.s32 s14, $0x10  }
.Ltmp2:
0x18f: {  	s21 =	sadd.s32 s5, s16;
	(pc) =	sbr.rel @p0 .LBB2_2-.Ltmp2, $4  }
0x190: {  	s15 =	sshll.u32 s21, $0xA  }
0x191: {  	s15 =	sand.u32 $0x1FFFFC00, s15  }
0x192: {  	s13 =	sadd.s32 $0x200, s13;
	s15 =	sadd.s32 s2, s15  }
0x193: {  	[hbm4b:s15+s3] =	stream.linear.scatter [tilespmem:s31], [sflag:$0x4], $0x2000, $0x38;
	[tilespmem:$0x1A000] =	vst v63  }
0x194: {  	s12 =	sadd.s32 $0x1, s12  }
0x195: {  	_ =	swait.ge [sflag:s0], $0x2000;
	p0 =	sne.s32 s12, s8  }
.Ltmp3:
0x196: {  	[sflag:s0] =	ssyncset.done $0x0;
	(pc) =	sbr.rel @p0 .LBB2_1-.Ltmp3, $4  }
0x197: {  	[sflag:s0] =	ssyncadd.s32 $0xFFFFE000  }
0x198: {  	_ =	swait.ge [sflag:s1], $0x2000  }
0x199: {  	[sflag:s1] =	ssyncset.done $0x0  }
0x19a: {  	[sflag:s1] =	ssyncadd.s32 $0xFFFFE000  }
0x19b: {  	_ =	sfence.sel $0x180000  }
0x19c: {  	[bflag:$0x0] =	sbarrier.arrive $0xFFFF  }
0x19d: {  	_ =	strace $0x9000004A  }
0x19e: {  	s0 =	stileid.u32;
	[bflag:$0x2] =	sbarrier.arrive $0xFFFF  }
0x19f: {  	p0 =	sne.s32 s0, $0x0;
	s0 =	rddreg [dreg:$0x2]  }
0x1a0: {  	s0 =	sadd.s32 @!p0 $0x100000, s0  }
0x1a1: {  	[sflag:s0] =	ssyncadd.tile.s32 @!p0 $0x1;
	_ =	shalt  }
.Lfunc_end2:
_tile_overlayer_lowered:
.L_overlay_start_2:
0x1a2: {  	(tag) =	ssettag $0x2  }
0x1a3: {  	s0 =	rddreg [dreg:$0x0];
	s2 =	stileid.u32  }
0x1a4: {  	s1 =	rddreg [dreg:$0x1];
	p0 =	sne.s32 s2, $0x0  }
0x1a5: {  	s3 =	rddreg [dreg:$0x2];
	[bflag:$0x3] =	sbarrier.arrive $0xFFFF;
	s2 =	simm.s32 @!p0 $0x1C05  }
0x1a6: {  	[timem:s3], [sflag:s2] =	dma.local @!p0 [hbm:s0], s1  }
0x1a7: {  	s0 =	simm.s32 @!p0 $0x5  }
0x1a8: {  	_ =	swait.ge @!p0 [sflag:s0], s1  }
0x1a9: {  	s1 =	ssub.s32 @!p0 $0x0, s1;
	[sflag:s0] =	ssyncset.done @!p0 $0x0  }
0x1aa: {  	[sflag:s0] =	ssyncadd.s32 @!p0 s1  }
0x1ab: {  	[bflag:$0x3] =	sbarrier.arrive $0xFFFF  }
0x1ac: {  	_ =	shalt  }

// kernel: sparse-core-data-format-call.cloned.1.call-start
scs
called_computation_lowered:
.L_overlay_start_0:
0x0: {  	s2 =	sld [smem:$0x3FD9]  }
0x1: {  	s3 =	sld [smem:$0x3FFE];
	_ =	sdelay $0x1  }
0x2: {  	s1 =	srdreg.scid  }
0x3: {  	s0 =	sand.u32 $0x1, s1  }
0x4: {  	s18 =	sshll.u32 s0, $0xA;
	s2 =	sadd.s32 s3, s2  }
0x5: {  	s2 =	sadd.s32 s2, s18  }
0x6: {  	[smem:$0x3FC5] =	sst s2  }
0x7: {  	_ = 	snop  }
0x8: {  	s2 =	sld [smem:$0x3FC9];
	(tm) =	ssettm $0x1  }
0x9: {  	s19 =	sld [smem:$0x3FFB];
	_ =	sdelay $0x3  }
0xa: {  	_ =	strace s19  }
0xb: {  	s3 =	sld [smem:$0x3FFC];
	_ =	sdelay $0x3  }
0xc: {  	_ =	strace s3  }
0xd: {  	s3 =	sld [smem:$0x3FFD];
	_ =	sdelay $0x3  }
0xe: {  	_ =	strace s3  }
0xf: {  	_ =	strace $0x8FFFFFFF  }
0x10: {  	s20 =	sld [smem:$0x3FDB];
	_ =	sdelay $0x1  }
0x11: {  	s4 =	simm.s32 $_scs_section_size  }
0x12: {  	s5 =	simm.s32 $_size__tile_overlayer_lowered;
	s6 =	simm.s32 $_tile_overlayer_lowered  }
0x13: {  	s23 =	simm.s32 $0x1BFF;
	s22 =	sshll.u32 s6, $0x1;
	s3 =	sadd.s32 s4, s20  }
0x14: {  	s7 =	simm.s32 $0x0;
	s21 =	sshll.u32 s5, $0x1;
	s5 =	sadd.s32 s22, s3  }
0x15: {  	[timem:s7], [sflag:s23] =	dma.local [hbm:s5], s21  }
0x16: {  	_ =	swait.ge [sflag:s23], s21  }
0x17: {  	s4 =	ssub.s32 $0x0, s21;
	[sflag:s23] =	ssyncset.done $0x0  }
0x18: {  	[sflag:s23] =	ssyncadd.s32 s4;
	_ =	sdelay $0x1  }
0x19: {  	s24 =	simm.s32 $0x1B8B  }
0x1a: {  	_ =	swait.ge [sflag:s24], $0x1  }
0x1b: {  	[sflag:s24] =	ssyncset.done $0x0  }
0x1c: {  	s26 =	simm.s32 $0x1B8E;
	s25 =	sld [smem:$0x3FFE];
	[sflag:s24] =	ssyncadd.s32 $0xFFFFFFFF  }
0x1d: {  	s27 =	simm.s32 $execute0_lowered;
	[smem:$0x3FD2] =	sst s26  }
0x1e: {  	s5 =	sshll.u32 s27, $0x1;
	_ =	strace $0x80000046;
	[dreg:$0x1] =	wrdreg $0xFFFFFFFF  }
0x1f: {  	s28 =	simm.s32 $_size_execute0_lowered;
	s3 =	sadd.s32 s3, s5;
	[dreg:$0x0] =	wrdreg $0x0  }
0x20: {  	s5 =	sshll.u32 s28, $0x1;
	[dreg:$0x2] =	wrdreg s3  }
0x21: {  	[dreg:$0x3] =	wrdreg s5  }
0x22: {  	[dreg:$0x4] =	wrdreg $0xC0  }
0x23: {  	_ =	task [dreg:s7], $0x5FFFF  }
0x24: {  	[dreg:$0x1] =	wrdreg $0xFFFFFFFF  }
0x25: {  	[dreg:$0x0] =	wrdreg $0x60  }
0x26: {  	[dreg:$0x2] =	wrdreg s2  }
0x27: {  	[dreg:$0x3] =	wrdreg s25  }
0x28: {  	[dreg:$0x4] =	wrdreg $0x9  }
0x29: {  	_ =	task.clear_ibuf [dreg:s7], $0x5FFFF;
	_ =	strace $0x90000046  }
0x2a: {  	s29 =	simm.s32 $0x9;
	_ =	strace $0x80000048  }
0x2b: {  	_ =	swait.ge [sflag:s29], $0x1  }
0x2c: {  	[sflag:s29] =	ssyncadd.s32 $0xFFFFFFFF  }
0x2d: {  	_ =	strace $0x90000048  }
0x2e: {  	_ =	sfence  }
0x2f: {  	s30 =	sld [smem:$0x0];
	_ =	sdelay $0x2  }
0x30: {  	s31 =	sshll.u32 s1, $0xD;
	s1 =	sshrl.u32 s1, $0x2  }
0x31: {  	s3 =	sand.u32 $0x4000, s31;
	s1 =	sadd.s32 s1, s30  }
0x32: {  	s0 =	sor.u32 s3, s0;
	s1 =	sshll.u32 s1, $0x11  }
0x33: {  	s0 =	sor.u32 s1, s0  }
0x34: {  	s0 =	sadd.s32 $0x8F2B, s0  }
0x35: {  	[sflag:s0] =	ssyncadd.remote.s32 $0x1  }
0x36: {  	_ =	sfence.sel $0xFFFF  }
0x37: {  	[dreg:$0x0] =	wrdreg $0xFFFFFFFF;
	(pc) =	sbr.abs _section_cstart, $3  }
0x38: {  	[dreg:$0x1] =	wrdreg $0xFFFFFFFF  }
0x39: {  	_ =	task.clear_ibuf [dreg:s7], $0x2FFFF;
	_ =	strace $0x9FFFFFFF  }
0x3a: {  	(tm) =	ssettm $0x7FFFFFFF  }
0x3b: {  	_ =	shalt  }
tec
execute0_lowered:
.L_overlay_start_1:
0x0: {  	(tag) =	ssettag $0x1  }
0x1: {  	s2 =	rddreg [dreg:$0x0]  }
0x2: {  	s0 =	srdreg.scid;
	s6 =	rddreg [dreg:$0x1]  }
0x3: {  	s7 =	simm.s32 $0x2;
	s15 =	simm.s32 $0x0;
	p0 =	por $0x0, $0x0  }
0x4: {  	s17 =	simm.s32 $0x0;
	s16 =	simm.s32 $0x0;
	s1 =	sshll.u32 s0, $0x4  }
0x5: {  	s8 =	simm.s32 $0x0;
	s0 =	stileid.u32;
	s1 =	sand.u32 $0x10, s1  }
0x6: {  	s9 =	simm.s32 $0x0;
	s10 =	simm.s32 $0x0;
	s3 =	sor.u32 s0, s1  }
.Ltmp0:
0x7: {  	s11 =	simm.s32 $0x0;
	s4 =	ssub.s32 $0x187, s3;
	(pc) =	sbr.rel .LBB1_1-.Ltmp0, $4  }
0x8: {  	s13 =	simm.s32 $0x0;
	s1 =	rddreg [dreg:$0x2];
	s5 =	sshrl.u32 s4, $0x5  }
0x9: {  	_ =	strace $0x80000047;
	s4 =	simm.s32 $0x1;
	s5 =	smul.u32 $0x6, s5  }
0xa: {  	s14 =	simm.s32 $0x0;
	s6 =	sadd.s32 $0xC00, s6;
	[sflag:s4] =	ssyncpa.u1 $0x0  }
0xb: {  	s12 =	smov.u32 s3;
	[sflag:s7] =	ssyncpa.u1 $0x0;
	s7 =	sor.u32 $0x1, s5  }
.LBB1_4:
0xc: {  	s23 =	sshll.u32 s8, $0x7;
	s24 =	sshll.u32 s10, $0x3  }
0xd: {  	p1 =	sgt.s32 s9, $0x167;
	s26 =	sshra.s32 s9, $0x1F;
	s22 =	sshra.s32 s22, $0x2  }
0xe: {  	s29 =	ssub.s32 $0x0, s10;
	s25 =	sand.u32 $0xFFFFFC00, s23;
	s24 =	sand.u32 $0xFFFFFC00, s24  }
0xf: {  	[tilespmem:s20+$0x2040 ss:$0x81] =	vst.msk $0xffff, v4;
	s30 =	sshra.s32 s8, $0x1F;
	s23 =	sand.u32 $0x380, s23;
	s24 =	sadd.s32 s24, s25  }
0x10: {  	[tilespmem:s20+$0x2850 ss:$0x81] =	vst.msk $0xffff, v3;
	s21 =	sadd.s32 s22, s21;
	s23 =	sor.u32 s23, s24;
	s24 =	smov.u32 s9  }
0x11: {  	[tilespmem:s20+$0x3060 ss:$0x81] =	vst.msk $0xffff, v2;
	s25 =	sand.u32 s26, s9;
	s23 =	sshrl.u32 s23, $0x7;
	s24 =	simm.s32 @!p1 $0x167  }
0x12: {  	v5 =	vld [tilespmem:s19+$0xFFFFFFD0];
	[tilespmem:s20+$0x0 ss:$0x81] =	vst.msk $0xffff, v0;
	s20 =	sand.u32 s30, s8;
	s26 =	smulhi.u32 $0xB60B61, s23;
	s24 =	ssub.s32 s24, s25  }
0x13: {  	v58 =	vld [tilespmem:s19+$0xFFFFFFE0];
	s27 =	sadd.s32 $0xFFFFFE99, s24;
	s22 =	ssub.s32 $0x168, s24;
	s24 =	smov.u32 s8  }
0x14: {  	v59 =	vld [tilespmem:s19+$0xFFFFFFF0];
	s28 =	sshrl.u32 s26, $0x1;
	p1 =	sgt.s32 s27, $0x0;
	s26 =	smin.u32 s10, s29  }
0x15: {  	v60 =	vld [tilespmem:s19+$0x0];
	s27 =	smul.u32 $0x2D00, s9;
	s22 =	simm.s32 @p1 $0x0;
	p1 =	sgt.s32 s8, $0x250  }
0x16: {  	v61 =	vld [tilespmem:s19+$0x10];
	[tilespmem:s21+$0x3870 ss:$0x81] =	vst.msk $0xffff, v1;
	s24 =	simm.s32 @!p1 $0x250;
	p1 =	sgt.s32 s26, $0x7F;
	s26 =	ssub.s32 $0x80, s26  }
0x17: {  	v62 =	vld [tilespmem:s19+$0x20];
	[tilespmem:s21+$0x810 ss:$0x81] =	vst.msk $0xffff, v5;
	s31 =	smul.u32 $0x2D0, s28;
	s20 =	ssub.s32 s24, s20;
	s26 =	simm.s32 @p1 $0x0  }
0x18: {  	v63 =	vld [tilespmem:s19+$0xFFFFFFC0];
	[tilespmem:s21+$0x1020 ss:$0x81] =	vst.msk $0xffff, v58;
	s25 =	smul.u32 s26, s22;
	s26 =	sadd.s32 $0xFFFFFDB0, s20  }
0x19: {  	[tilespmem:s21+$0x1830 ss:$0x81] =	vst.msk $0xffff, v59;
	s28 =	sshrl.u32 s10, $0x3;
	s20 =	ssub.s32 $0x2D0, s20;
	p1 =	sgt.s32 s26, $0x7F  }
0x1a: {  	[tilespmem:s21+$0x2040 ss:$0x81] =	vst.msk $0xffff, v60;
	s29 =	sand.u32 $0xF, s28;
	s20 =	simm.s32 @p1 $0x0  }
0x1b: {  	[tilespmem:s21+$0x2850 ss:$0x81] =	vst.msk $0xffff, v61;
	s23 =	ssub.s32 s23, s31;
	s22 =	sadd.s32 s6, s27;
	s19 =	smul.u32 s20, s25  }
0x1c: {  	[tilespmem:s21+$0x3060 ss:$0x81] =	vst.msk $0xffff, v62;
	s30 =	sshll.u32 s23, $0x4;
	s20 =	sadd.s32 s29, s22  }
0x1d: {  	[tilespmem:s21+$0x0 ss:$0x81] =	vst.msk $0xffff, v63;
	s31 =	sand.u32 $0x7, s10;
	s20 =	sadd.s32 s30, s20;
	s19 =	sand.u32 $0x3FFFFFFF, s19  }
0x1e: {  	[hbm4b:s20+s31] =	stream.linear.scatter [tilespmem:s18], [sflag:$0x2], s19, $0x20;
	[tilespmem:$0x10100] =	vst v63  }
.LBB1_5:
0x1f: {  	p1 =	slt.u32 s14, $0x2  }
0x20: {  	p2 =	sgt.s32 @!p1 s17, $0x167  }
0x21: {  	s18 =	smov.u32 s17;
	s19 =	sshra.s32 @!p1 s17, $0x1F;
	p2 =	por !p2, p1  }
0x22: {  	s17 =	sand.u32 @!p1 s19, s17;
	s18 =	simm.s32 @p2 $0x167  }
0x23: {  	p3 =	sgt.s32 @!p1 s15, $0x250;
	s17 =	ssub.s32 @!p1 s18, s17  }
0x24: {  	p3 =	por !p3, p1;
	s19 =	smov.u32 s15;
	s18 =	sadd.s32 @!p1 $0xFFFFFE99, s17  }
0x25: {  	s17 =	ssub.s32 @!p1 $0x168, s17;
	p2 =	sgt.s32 @!p1 s18, $0x0;
	s18 =	sshra.s32 @!p1 s15, $0x1F  }
0x26: {  	s15 =	sand.u32 @!p1 s18, s15;
	s18 =	ssub.s32 @!p1 $0x0, s16;
	p2 =	por !p2, p1  }
0x27: {  	s19 =	simm.s32 @p3 $0x250;
	s16 =	smin.u32 @!p1 s16, s18;
	s17 =	simm.s32 @!p2 $0x0  }
0x28: {  	s15 =	ssub.s32 @!p1 s19, s15;
	s19 =	smov.u32 s12;
	p2 =	sgt.s32 @!p1 s16, $0x7F  }
0x29: {  	s18 =	sadd.s32 @!p1 $0xFFFFFDB0, s15;
	s16 =	ssub.s32 @!p1 $0x80, s16;
	p2 =	por !p2, p1  }
0x2a: {  	s15 =	ssub.s32 @!p1 $0x2D0, s15;
	p3 =	sgt.s32 @!p1 s18, $0x7F;
	s16 =	simm.s32 @!p2 $0x0  }
0x2b: {  	s18 =	sadd.s32 $0x80, s11;
	p2 =	por !p3, p1;
	s16 =	smul.u32 @!p1 s16, s17  }
0x2c: {  	s15 =	simm.s32 @!p2 $0x0;
	p2 =	sgt.s32 s18, $0x2CF;
	s17 =	sadd.s32 $0x20, s12  }
0x2d: {  	s20 =	smov.u32 s13;
	s19 =	smov.u32 @p2 s17  }
0x2e: {  	s15 =	smul.u32 @!p1 s15, s16;
	p3 =	sgt.s32 s19, $0x167;
	s16 =	sadd.s32 $0x80, s13  }
0x2f: {  	p0 =	por !p0, !p0;
	s21 =	simm.s32 @!p1 $0x2;
	s20 =	smov.u32 @p3 s16  }
0x30: {  	s18 =	simm.s32 @p2 $0x0;
	s17 =	smov.u32 s9;
	p2 =	sgt.s32 s20, $0x7F  }
0x31: {  	s9 =	smov.u32 s12;
	s20 =	simm.s32 @p2 $0x0;
	p2 =	sne.s32 s14, s7  }
.Ltmp1:
0x32: {  	s19 =	smov.u32 @p3 s3;
	s16 =	smov.u32 s10;
	(pc) =	sbr.rel @!p2 .LBB1_6-.Ltmp1, $4  }
0x33: {  	s10 =	smov.u32 s13;
	s15 =	sand.u32 @!p1 $0x3FFFFFFF, s15;
	s12 =	smov.u32 s19  }
0x34: {  	_ =	swait.ge @!p1 [sflag:s21], s15;
	s22 =	ssub.s32 @!p1 $0x0, s15;
	s15 =	smov.u32 s8  }
0x35: {  	s14 =	sadd.s32 $0x1, s14;
	s8 =	smov.u32 s11;
	[sflag:s21] =	ssyncset.done @!p1 $0x0  }
0x36: {  	s11 =	smov.u32 s18;
	s13 =	smov.u32 s20;
	[sflag:s21] =	ssyncadd.s32 @!p1 s22  }
.LBB1_1:
0x37: {  	p1 =	sge.u32 s14, s5  }
0x38: {  	s18 =	sshrl.u32 @!p1 s12, $0x3  }
0x39: {  	s19 =	sshll.u32 @!p1 s11, $0x3;
	s18 =	smul.u32 @!p1 $0x1800, s18  }
0x3a: {  	s20 =	sshll.u32 @!p1 s12, $0x7;
	s19 =	sand.u32 @!p1 $0xFFFFFC00, s19  }
0x3b: {  	s18 =	sadd.s32 @!p1 s18, s19;
	s19 =	sand.u32 @!p1 $0x380, s20  }
0x3c: {  	s18 =	sor.u32 @!p1 s19, s18  }
0x3d: {  	s19 =	sand.u32 @!p1 $0x7F, s11;
	s20 =	smulhi.u32 @!p1 $0xAAAAAAAB, s18  }
0x3e: {  	s18 =	sor.u32 @!p1 s19, s18  }
0x3f: {  	s19 =	smulhi.u32 @!p1 $0xAAAAAAAB, s18;
	s20 =	sshrl.u32 @!p1 s20, $0x9  }
0x40: {  	s21 =	smulhi.u32 @!p1 $0xB60B61, s20;
	_ =	sdelay $0x1  }
0x41: {  	s19 =	sshrl.u32 @!p1 s19, $0x9;
	s21 =	smul.u32 @!p1 $0x168, s21  }
0x42: {  	s31 =	sadd.s32 $0xFFFFFFFF, s14;
	s19 =	smul.u32 @!p1 $0x300, s19  }
0x43: {  	s22 =	sxor.u32 @!p1 $0xFFFFFFFF, s14;
	s20 =	ssub.s32 @!p1 s20, s21;
	s21 =	smul.u32 @!p1 $0x8700, s13  }
0x44: {  	s22 =	sshll.u32 @!p1 s22, $0xE;
	s18 =	ssub.s32 @!p1 s18, s19;
	s19 =	smul.u32 @!p1 $0x60, s20  }
0x45: {  	s20 =	sand.u32 @!p1 $0x4000, s22;
	s22 =	sand.u32 @!p1 $0x7, s18;
	s21 =	sadd.s32 @!p1 s2, s21  }
0x46: {  	s18 =	sshrl.u32 @!p1 s18, $0x3;
	s19 =	sadd.s32 @!p1 s19, s21;
	s21 =	sshll.u32 @!p1 s22, $0x12  }
0x47: {  	s18 =	sadd.s32 @!p1 s18, s19;
	s19 =	sor.u32 @!p1 $0x80, s21;
	s21 =	simm.s32 @!p1 $0x43800  }
0x48: {  	[tilespmem:s20], [sflag:$0x1] =	stream.strided.gather @!p1 [hbm4b:s18+s19], $0x4000, s21, s19, $0x38;
	[tilespmem:$0x10100] =	vst v63  }
0x49: {  	p1 =	sge.u32 s31, s5  }
.Ltmp2:
0x4a: {  	_ = 	snop;
	(pc) =	sbr.rel @p1 .LBB1_5-.Ltmp2, $1  }
0x4b: {  	_ =	sdelay $0x3  }
0x4c: {  	s18 =	simm.s32 $0x1  }
0x4d: {  	_ =	swait.ge [sflag:s4], $0x4000;
	s18 =	simm.s32 @!p0 $0x0  }
0x4e: {  	[sflag:s4] =	ssyncset.done $0x0;
	s19 =	sshll.u32 s18, $0xE  }
0x4f: {  	[sflag:s4] =	ssyncadd.s32 $0xFFFFC000;
	s19 =	sor.u32 $0x40, s19  }
0x50: {  	s18 =	smul.u32 $0x10200, s18;
	v0 =	vld [tilespmem:s19+$0x30]  }
0x51: {  	v1 =	vld [tilespmem:s19+$0xFFFFFFD0]  }
0x52: {  	s18 =	sshrl.u32 s18, $0x2;
	v5 =	vld [tilespmem:s19+$0xFFFFFFE0]  }
0x53: {  	v6 =	vld [tilespmem:s19+$0xFFFFFFF0];
	s21 =	sor.u32 $0x8000, s18  }
0x54: {  	s31 =	sand.u32 $0x1, s14;
	v4 =	vld [tilespmem:s19+$0x0];
	s20 =	sadd.s32 $0x0, s21  }
0x55: {  	v3 =	vld [tilespmem:s19+$0x10];
	s18 =	smul.u32 $0x10200, s31;
	[tilespmem:s20+$0x3870 ss:$0x81] =	vst.msk $0xffff, v0  }
0x56: {  	v2 =	vld [tilespmem:s19+$0x20];
	[tilespmem:s20+$0x810 ss:$0x81] =	vst.msk $0xffff, v1  }
0x57: {  	s18 =	sshrl.u32 s18, $0x2;
	v0 =	vld [tilespmem:s19+$0xFFFFFFC0];
	[tilespmem:s20+$0x1020 ss:$0x81] =	vst.msk $0xffff, v5;
	s19 =	sadd.s32 $0x80, s19  }
0x58: {  	s22 =	simm.s32 $0x4;
	s23 =	simm.s32 $0x8;
	s18 =	sor.u32 $0x8000, s18;
	[tilespmem:s20+$0x1830 ss:$0x81] =	vst.msk $0xffff, v6;
	v1 =	vld [tilespmem:s19+$0x30]  }
.LBB1_3:
0x59: {  	p1 =	sne.s32 s23, $0x1FC;
	v5 =	vld [tilespmem:s19+$0xFFFFFFD0];
	[tilespmem:s20+$0x2040 ss:$0x81] =	vst.msk $0xffff, v4  }
0x5a: {  	v6 =	vld [tilespmem:s19+$0xFFFFFFE0];
	[tilespmem:s20+$0x2850 ss:$0x81] =	vst.msk $0xffff, v3  }
0x5b: {  	s24 =	sshra.s32 s22, $0x2;
	s22 =	smov.u32 s23;
	v7 =	vld [tilespmem:s19+$0xFFFFFFF0];
	[tilespmem:s20+$0x3060 ss:$0x81] =	vst.msk $0xffff, v2  }
.Ltmp3:
0x5c: {  	v4 =	vld [tilespmem:s19+$0x0];
	[tilespmem:s20+$0x0 ss:$0x81] =	vst.msk $0xffff, v0;
	s20 =	sadd.s32 s24, s21;
	(pc) =	sbr.rel @p1 .LBB1_3-.Ltmp3, $4  }
0x5d: {  	v3 =	vld [tilespmem:s19+$0x10];
	[tilespmem:s20+$0x3870 ss:$0x81] =	vst.msk $0xffff, v1  }
0x5e: {  	[tilespmem:s20+$0x810 ss:$0x81] =	vst.msk $0xffff, v5;
	v2 =	vld [tilespmem:s19+$0x20]  }
0x5f: {  	v0 =	vld [tilespmem:s19+$0xFFFFFFC0];
	[tilespmem:s20+$0x1020 ss:$0x81] =	vst.msk $0xffff, v6;
	s19 =	sadd.s32 $0x80, s19  }
0x60: {  	s23 =	sadd.s32 $0x4, s23;
	v1 =	vld [tilespmem:s19+$0x30];
	[tilespmem:s20+$0x1830 ss:$0x81] =	vst.msk $0xffff, v7  }
.Ltmp4:
0x61: {  	_ = 	snop;
	(pc) =	sbr.rel .LBB1_4-.Ltmp4, $1  }
0x62: {  	_ =	sdelay $0x3  }
.LBB1_6:
0x63: {  	_ =	sfence.sel $0x180000  }
0x64: {  	s2 =	simm.s32 $0x1;
	[bflag:$0x0] =	sbarrier.arrive $0xFFFF  }
0x65: {  	s31 =	simm.s32 $0x2;
	[sflag:s2] =	ssyncpa.u1 $0x1  }
0x66: {  	[sflag:s31] =	ssyncpa.u1 $0x1  }
0x67: {  	p0 =	sne.s32 s0, $0x0;
	_ =	strace $0x90000047  }
0x68: {  	s0 =	sadd.s32 @!p0 $0x100000, s1;
	[bflag:$0x2] =	sbarrier.arrive $0xFFFF  }
0x69: {  	[sflag:s0] =	ssyncadd.tile.s32 @!p0 $0x1;
	_ =	shalt  }
.Lfunc_end1:
_tile_overlayer_lowered:
.L_overlay_start_2:
0x6a: {  	(tag) =	ssettag $0x2  }
0x6b: {  	s0 =	rddreg [dreg:$0x0];
	s2 =	stileid.u32  }
0x6c: {  	s1 =	rddreg [dreg:$0x1];
	p0 =	sne.s32 s2, $0x0  }
0x6d: {  	s3 =	rddreg [dreg:$0x2];
	[bflag:$0x3] =	sbarrier.arrive $0xFFFF;
	s2 =	simm.s32 @!p0 $0x1C01  }
0x6e: {  	[timem:s3], [sflag:s2] =	dma.local @!p0 [hbm:s0], s1  }
0x6f: {  	s0 =	simm.s32 @!p0 $0x1  }
0x70: {  	_ =	swait.ge @!p0 [sflag:s0], s1  }
0x71: {  	s1 =	ssub.s32 @!p0 $0x0, s1;
	[sflag:s0] =	ssyncset.done @!p0 $0x0  }
0x72: {  	[sflag:s0] =	ssyncadd.s32 @!p0 s1  }
0x73: {  	[bflag:$0x3] =	sbarrier.arrive $0xFFFF  }
0x74: {  	_ =	shalt  }

</sc_bundles>
